<compile_context>
chip_gen: v7x
topology: tpu7x:2x2x1
jax: 0.10.2.dev20260603
libtpu: 0.0.44.dev20260713+nightly
codegen_flags: <defaults>
</compile_context>

<pallas_src>
import functools

import jax
import jax.numpy as jnp
from jax import lax
from jax.experimental import pallas as pl
from jax.experimental.pallas import tpu as pltpu
from jax.experimental.pallas import tpu_sc as plsc

_B = 1024
_DIM = 128
_DIM_P = 64
_C = 100
_T = 4
_N = 100000
_TAU = 3.0
_ALPHA = 1.0 - 0.9 * 20.0 / 100.0
_CUR_TEA = 3
_TEA_IDX = 3
_ROWS = _T * _N
_G = _CUR_TEA * _B

_NC = 2
_NS = 16
_NW = _NC * _NS
_GPW = _G // _NW
_SPW = _B // _NW

_HIGHEST = lax.Precision.HIGHEST


_RB = 10000


def _copy_body(vs, vd):
    vd[...] = vs[...]


_copy_vals = pl.pallas_call(
    _copy_body,
    grid=(_T, _N // _RB),
    in_specs=[pl.BlockSpec((1, _RB, _C), lambda t, i: (t, i, 0))],
    out_specs=pl.BlockSpec((1, _RB, _C), lambda t, i: (t, i, 0)),
    out_shape=jax.ShapeDtypeStruct((_T, _N, _C), jnp.float32),
)

_VCH = 400
_NCHUNKS = _ROWS // _VCH


@functools.lru_cache(maxsize=None)
def _sc_kernels():
    vmesh = plsc.VectorSubcoreMesh(core_axis_name="c", subcore_axis_name="s",
                                   num_cores=_NC, num_subcores=_NS)

    @functools.partial(
        pl.kernel,
        out_type=jax.ShapeDtypeStruct((_G, _DIM), jnp.float32),
        mesh=vmesh,
        scratch_types=[pltpu.VMEM((_SPW,), jnp.int32),
                       pltpu.VMEM((_SPW, _DIM), jnp.float32),
                       pltpu.SemaphoreType.DMA],
    )
    def _tec_kgather(kmem, idx, tk_out, gi_v, krows, s1):
        wid = lax.axis_index("s") * _NC + lax.axis_index("c")
        base = wid * _SPW
        pltpu.sync_copy(idx.at[pl.ds(base, _SPW)], gi_v)
        for t in range(_CUR_TEA):
            pltpu.async_copy(kmem.at[t].at[gi_v], krows, s1).wait()
            pltpu.sync_copy(krows, tk_out.at[pl.ds(t * _B + base, _SPW)])

    @functools.partial(
        pl.kernel,
        out_type=(),
        mesh=vmesh,
        scratch_types=[pltpu.VMEM((_SPW,), jnp.int32),
                       pltpu.VMEM((_SPW, _DIM), jnp.float32),
                       pltpu.SemaphoreType.DMA],
    )
    def _tec_kscatter(kbank, idx, qrows, si_v, krows, s1):
        wid = lax.axis_index("s") * _NC + lax.axis_index("c")
        base = wid * _SPW
        pltpu.sync_copy(idx.at[pl.ds(base, _SPW)], si_v)
        pltpu.sync_copy(qrows.at[pl.ds(base, _SPW)], krows)
        pltpu.async_copy(krows, kbank.at[_TEA_IDX].at[si_v], s1).wait()

    _CPT = _N // _VCH

    @functools.partial(
        pl.kernel,
        out_type=jax.ShapeDtypeStruct((_T, _N, _DIM), jnp.float32),
        mesh=vmesh,
        scratch_types=[pltpu.VMEM((_VCH, _DIM), jnp.float32),
                       pltpu.VMEM((_VCH, _DIM), jnp.float32),
                       pltpu.SemaphoreType.DMA,
                       pltpu.SemaphoreType.DMA],
    )
    def _tec_kcopy(vsrc, vdst, buf0, buf1, lsem, ssem):
        wid = lax.axis_index("s") * _NC + lax.axis_index("c")
        nch = 31 + jnp.where(wid < _NCHUNKS - 31 * _NW, 1, 0)

        def slices(j):
            c = wid + _NW * j
            t = c // _CPT
            base = (c % _CPT) * _VCH
            return t, base

        def body(j, _):
            t, base = slices(j)

            @pl.when(j % 2 == 0)
            def _():
                @pl.when(j >= 2)
                def _():
                    t2, b2 = slices(j - 2)
                    pltpu.make_async_copy(
                        buf0, vdst.at[t2, pl.ds(b2, _VCH)], ssem).wait()
                pltpu.async_copy(
                    vsrc.at[t, pl.ds(base, _VCH)], buf0, lsem).wait()
                pltpu.make_async_copy(
                    buf0, vdst.at[t, pl.ds(base, _VCH)], ssem).start()

            @pl.when(j % 2 == 1)
            def _():
                @pl.when(j >= 2)
                def _():
                    t2, b2 = slices(j - 2)
                    pltpu.make_async_copy(
                        buf1, vdst.at[t2, pl.ds(b2, _VCH)], ssem).wait()
                pltpu.async_copy(
                    vsrc.at[t, pl.ds(base, _VCH)], buf1, lsem).wait()
                pltpu.make_async_copy(
                    buf1, vdst.at[t, pl.ds(base, _VCH)], ssem).start()

            return 0

        lax.fori_loop(0, nch, body, 0)
        pltpu.make_async_copy(buf0, vdst.at[0, pl.ds(0, _VCH)], ssem).wait()
        pltpu.make_async_copy(buf1, vdst.at[0, pl.ds(0, _VCH)], ssem).wait()

    return _tec_kgather, _tec_kscatter, _tec_kcopy


def _compute_body(idx_s, idxc_r, idxr_r, y_r,
                  q_r, l_r, tk_r, wq_r, bq_r, wk_r, bk_r, nv,
                  l1_r, l2_r, ft_r, qres_r, nv_out,
                  tvbuf, lbuf, gsem, ssem):
    del nv_out
    f32 = jnp.float32
    query = q_r[...]
    logits = l_r[...]

    for t in range(_CUR_TEA):
        def _g(b, _, t=t):
            r = idx_s[b]
            pltpu.make_async_copy(
                nv.at[t].at[pl.ds(r, 1)],
                tvbuf.at[pl.ds(t * _B + b, 1)], gsem).start()
            return 0

        lax.fori_loop(0, _B, _g, 0, unroll=8)

    q = lax.dot_general(query, wq_r[...], (((1,), (1,)), ((), ())),
                        preferred_element_type=f32) + bq_r[...]
    v = lax.dot_general(q, wk_r[...], (((1,), (0,)), ((), ())),
                        preferred_element_type=f32)
    qbk = lax.dot_general(q, bk_r[...], (((1,), (0,)), ((), ())),
                          preferred_element_type=f32)

    es = []
    for t in range(_CUR_TEA):
        kt = tk_r[pl.ds(t * _B, _B), :]
        es.append(jnp.sum(v * kt, axis=1, keepdims=True) + qbk)
    m = jnp.maximum(jnp.maximum(es[0], es[1]), es[2])
    ws = [jnp.exp(e - m) for e in es]
    sden = ws[0] + ws[1] + ws[2]

    pltpu.make_async_copy(nv.at[0].at[pl.ds(0, _G)], tvbuf, gsem).wait()
    ft = (ws[0] / sden) * tvbuf[pl.ds(0, _B), :]
    ft = ft + (ws[1] / sden) * tvbuf[pl.ds(_B, _B), :]
    ft = ft + (ws[2] / sden) * tvbuf[pl.ds(2 * _B, _B), :]

    z = ft * (1.0 / _TAU)
    zm = jnp.max(z, axis=1, keepdims=True)
    ez = jnp.exp(z - zm)
    p = ez / jnp.sum(ez, axis=1, keepdims=True)
    ft_r[...] = p

    lmax = jnp.max(logits, axis=1, keepdims=True)
    lse = jnp.log(jnp.sum(jnp.exp(logits - lmax), axis=1, keepdims=True)) + lmax
    cls_iota = lax.broadcasted_iota(jnp.int32, (_B, _C), 1)
    oh_y = (cls_iota == y_r[...]).astype(f32)
    picked = jnp.sum(logits * oh_y, axis=1, keepdims=True)
    ce_col = lse - picked
    l1_r[...] = _ALPHA * (1.0 / _B) * jnp.sum(ce_col, axis=0, keepdims=True)

    zs = logits * (1.0 / _TAU)
    zsm = jnp.max(zs, axis=1, keepdims=True)
    lse_s = jnp.log(jnp.sum(jnp.exp(zs - zsm), axis=1, keepdims=True)) + zsm
    logp_s = zs - lse_s
    kl_rows = jnp.sum(p * (jnp.log(p + 1e-12) - logp_s), axis=1, keepdims=True)
    l2_r[...] = ((1.0 - _ALPHA) * _TAU * _TAU / _B) * jnp.sum(
        kl_rows, axis=0, keepdims=True)

    ch = 512
    jiota = lax.broadcasted_iota(jnp.int32, (ch, _B), 1)
    for c in range(_B // ch):
        rows = pl.ds(c * ch, ch)
        idc = idxc_r[rows, :]
        eq = idc == idxr_r[...]
        jsel = jnp.where(eq, jiota, -1)
        w = jnp.max(jsel, axis=1, keepdims=True)
        oh = (jiota == w).astype(f32)
        qres_r[rows, :] = lax.dot_general(
            oh, query, (((1,), (0,)), ((), ())),
            preferred_element_type=f32, precision=_HIGHEST)
        lbuf[rows, :] = lax.dot_general(
            oh, logits, (((1,), (0,)), ((), ())),
            preferred_element_type=f32, precision=_HIGHEST)

    def _s(j, _):
        r = idx_s[j]
        pltpu.make_async_copy(
            lbuf.at[pl.ds(j, 1)], nv.at[_TEA_IDX].at[pl.ds(r, 1)],
            ssem).start()
        return 0

    lax.fori_loop(0, _B, _s, 0, unroll=8)
    pltpu.make_async_copy(lbuf, nv.at[_TEA_IDX].at[pl.ds(0, _B)], ssem).wait()


_compute = pl.pallas_call(
    _compute_body,
    in_specs=[pl.BlockSpec(memory_space=pltpu.SMEM),
              pl.BlockSpec((_B, 1), lambda: (0, 0)),
              pl.BlockSpec((1, _B), lambda: (0, 0)),
              pl.BlockSpec((_B, 1), lambda: (0, 0)),
              pl.BlockSpec((_B, _DIM), lambda: (0, 0)),
              pl.BlockSpec((_B, _C), lambda: (0, 0)),
              pl.BlockSpec((_G, _DIM), lambda: (0, 0)),
              pl.BlockSpec((_DIM_P, _DIM), lambda: (0, 0)),
              pl.BlockSpec((1, _DIM_P), lambda: (0, 0)),
              pl.BlockSpec((_DIM_P, _DIM), lambda: (0, 0)),
              pl.BlockSpec((_DIM_P, 1), lambda: (0, 0)),
              pl.BlockSpec(memory_space=pltpu.MemorySpace.HBM)],
    out_specs=[pl.BlockSpec((1, 1), lambda: (0, 0)),
               pl.BlockSpec((1, 1), lambda: (0, 0)),
               pl.BlockSpec((_B, _C), lambda: (0, 0)),
               pl.BlockSpec((_B, _DIM), lambda: (0, 0)),
               pl.BlockSpec(memory_space=pltpu.MemorySpace.HBM)],
    out_shape=[jax.ShapeDtypeStruct((1, 1), jnp.float32),
               jax.ShapeDtypeStruct((1, 1), jnp.float32),
               jax.ShapeDtypeStruct((_B, _C), jnp.float32),
               jax.ShapeDtypeStruct((_B, _DIM), jnp.float32),
               jax.ShapeDtypeStruct((_T, _N, _C), jnp.float32)],
    input_output_aliases={11: 4},
    scratch_shapes=[pltpu.VMEM((_G, _C), jnp.float32),
                    pltpu.VMEM((_B, _C), jnp.float32),
                    pltpu.SemaphoreType.DMA,
                    pltpu.SemaphoreType.DMA],
)


def kernel(batch_idx, query, logits, y_true, keys_mem, values_mem,
           Wq, bq, Wk, bk):
    idx = batch_idx.astype(jnp.int32)

    kg, ksc, kcp = _sc_kernels()
    cv = _copy_vals(values_mem)
    ck = kcp(keys_mem)
    tk = kg(keys_mem, idx)

    loss1, loss2, ft, qres, nv = _compute(
        idx,
        idx.reshape(_B, 1), idx.reshape(1, _B), y_true.reshape(_B, 1),
        query, logits, tk,
        Wq, bq.reshape(1, _DIM_P), Wk, bk.reshape(_DIM_P, 1), cv)

    kref = jax.new_ref(ck)
    ksc(kref, idx, qres)

    new_keys = kref[...]
    return (loss1.reshape(()), loss2.reshape(()), ft, new_keys, nv)

# --- scband reference (transcript-rebuilt; emitter-appended) ---
"""Pipeline reference for scband-lwr-69166153335081 (READ-ONLY COPY).

The authoritative reference and input builder live on the scoring server;
editing this copy changes nothing except your own understanding.
"""

import jax, jax.numpy as jnp
import numpy as np

K_STEP = 5
TEA_NUM = 4
DATASET_LEN = 100000
NUM_CLASSES = 100
MAX_EPOCHS = 100
DIM = 128
FACTOR = 2
DIM_P = DIM // FACTOR
TAU = 3.0
UPDATE_RATE = 0.9
CUR_EPOCH = 20
B = 1024


def setup_inputs(seed: int = 0) -> dict:
    key = jax.random.key(seed)
    ks = jax.random.split(key, 10)
    batch_idx = jax.random.randint(ks[0], (B,), 0, DATASET_LEN, dtype=jnp.int64 if jax.config.jax_enable_x64 else jnp.int32)
    query = jax.random.normal(ks[1], (B, DIM), dtype=jnp.float32)
    logits = jax.random.normal(ks[2], (B, NUM_CLASSES), dtype=jnp.float32)
    y_true = jax.random.randint(ks[3], (B,), 0, NUM_CLASSES, dtype=jnp.int32)
    keys_mem = jax.random.normal(ks[4], (TEA_NUM, DATASET_LEN, DIM), dtype=jnp.float32) * 0.02
    values_mem = jax.random.normal(ks[5], (TEA_NUM, DATASET_LEN, NUM_CLASSES), dtype=jnp.float32) * 0.02
    Wq = jax.random.normal(ks[6], (DIM_P, DIM), dtype=jnp.float32) * (1.0 / np.sqrt(DIM))
    bq = jnp.zeros((DIM_P,), dtype=jnp.float32)
    Wk = jax.random.normal(ks[7], (DIM_P, DIM), dtype=jnp.float32) * (1.0 / np.sqrt(DIM))
    bk = jnp.zeros((DIM_P,), dtype=jnp.float32)
    return {
        'batch_idx': batch_idx,
        'query': query,
        'logits': logits,
        'y_true': y_true,
        'keys_mem': keys_mem,
        'values_mem': values_mem,
        'Wq': Wq, 'bq': bq, 'Wk': Wk, 'bk': bk,
    }


def reference(batch_idx, query, logits, y_true, keys_mem, values_mem, Wq, bq, Wk, bk):
    cur_epoch = CUR_EPOCH
    alpha = 1.0 - UPDATE_RATE * (cur_epoch - cur_epoch % K_STEP) / MAX_EPOCHS
    cur_tea_num = (cur_epoch - 1) // K_STEP  # 3, since cur_epoch=20 > k

    # loss1 = alpha * cross_entropy(logits, y_true)
    logp = jax.nn.log_softmax(logits, axis=-1)
    ce = -jnp.mean(jnp.take_along_axis(logp, y_true[:, None].astype(jnp.int32), axis=1)[:, 0])
    loss1 = alpha * ce

    # attention over teacher keys (args.tea_avg == False branch, factor=2)
    q = query @ Wq.T + bq                       # [B, DIM_P]
    q = q[:, None, :]                           # [B, 1, DIM_P]
    tea_keys = keys_mem[:cur_tea_num][:, batch_idx, :]      # gather: [T, B, DIM]
    tea_keys = jnp.transpose(tea_keys, (1, 2, 0))           # [B, DIM, T]
    # key_weight applied per-teacher: tea_keys2[:, :, i] = Wk @ tea_keys[:, :, i] + bk
    tea_keys2 = jnp.einsum('bdi,ed->bei', tea_keys, Wk) + bk[None, :, None]  # [B, DIM_P, T]
    energy = jnp.einsum('bqe,bei->bqi', q, tea_keys2)       # [B, 1, T]
    attention = jax.nn.softmax(energy, axis=-1)
    tea_value = values_mem[:cur_tea_num][:, batch_idx, :]   # gather: [T, B, C]
    tea_value = jnp.transpose(tea_value, (1, 0, 2))         # [B, T, C]
    final_teacher = jnp.einsum('bqi,bic->bqc', attention, tea_value)[:, 0, :]  # [B, C]
    final_teacher = jax.nn.softmax(final_teacher / TAU, axis=-1)

    # loss2 = (1-alpha) * tau^2 * KLDiv(log_softmax(logits/tau), final_teacher, batchmean)
    logp_s = jax.nn.log_softmax(logits / TAU, axis=-1)
    kl = jnp.sum(final_teacher * (jnp.log(final_teacher + 1e-12) - logp_s)) / B
    loss2 = (1.0 - alpha) * (TAU ** 2) * kl

    # cur_epoch % k == 0: scatter-write detached query/logits into memory banks
    tea_index = (cur_epoch // K_STEP - 1) % TEA_NUM  # 3
    new_keys = keys_mem.at[tea_index, batch_idx, :].set(jax.lax.stop_gradient(query))
    new_values = values_mem.at[tea_index, batch_idx, :].set(jax.lax.stop_gradient(logits))

    return loss1, loss2, final_teacher, new_keys, new_values

if __name__ == "__main__":
    import jax
    _d = setup_inputs()
    print(jax.jit(kernel)(*tuple(_d.values())))

</pallas_src>

<mosaic_0001>
#map = affine_map<(d0, d1) -> (0, 0, 0)>
#map1 = affine_map<(d0, d1) -> (0)>
#map2 = affine_map<(d0, d1) -> (0, 0)>
module attributes {stable_mosaic.version = 14 : i64} {
  func.func @_tec_kgather(%arg0: i32, %arg1: i32, %arg2: memref<4x100000x128xf32, #tpu.memory_space<hbm>>, %arg3: memref<1024xi32, #tpu.memory_space<hbm>>, %arg4: memref<3072x128xf32, #tpu.memory_space<hbm>>, %arg5: memref<32xi32, #tpu.memory_space<vmem>>, %arg6: memref<32x128xf32, #tpu.memory_space<vmem>>, %arg7: memref<!tpu.dma_semaphore, #tpu.memory_space<semaphore_mem>>) attributes {dimension_semantics = [#tpu.dimension_semantics<core_parallel>, #tpu.dimension_semantics<subcore_parallel>], iteration_bounds = array<i64: 2, 16>, scalar_prefetch = 0 : i64, scratch_operands = 3 : i64, tpu.core_type = #tpu.core_type<sc_vector_subcore>, window_params = [{transform_indices = #map}, {transform_indices = #map1}, {transform_indices = #map2}]} {
    %mul3A = arith.constant 2 : i32
    %mul3A_0 = arith.muli %arg1, %mul3A : i32
    %add3A = arith.addi %mul3A_0, %arg0 : i32
    %mul3A_1 = arith.constant 32 : i32
    %mul3A_2 = arith.muli %add3A, %mul3A_1 : i32
    "tpu.region"() ({
      %run_scoped3A = tpu.sem_alloc : memref<!tpu.dma_semaphore, #tpu.memory_space<semaphore_mem>>
      %dma_start3A_55 = tpu.memref_slice %arg3[%mul3A_2] : memref<1024xi32, #tpu.memory_space<hbm>> -> memref<32xi32, #tpu.memory_space<hbm>>
      %dma_start3A_56 = tpu.memref_slice %arg3[%mul3A_2] : memref<1024xi32, #tpu.memory_space<hbm>> -> memref<32xi32, #tpu.memory_space<hbm>>
      tpu.enqueue_dma source(%dma_start3A_56 : memref<32xi32, #tpu.memory_space<hbm>>) target(%arg5 : memref<32xi32, #tpu.memory_space<vmem>>) target_semaphore(%run_scoped3A : memref<!tpu.dma_semaphore, #tpu.memory_space<semaphore_mem>>)
      %dma_wait3A_57 = tpu.memref_slice %arg3[%mul3A_2] : memref<1024xi32, #tpu.memory_space<hbm>> -> memref<32xi32, #tpu.memory_space<hbm>>
      %dma_wait3A_58 = tpu.memref_slice %arg3[%mul3A_2] : memref<1024xi32, #tpu.memory_space<hbm>> -> memref<32xi32, #tpu.memory_space<hbm>>
      tpu.wait_dma2 semaphore(%run_scoped3A : memref<!tpu.dma_semaphore, #tpu.memory_space<semaphore_mem>>) src(%dma_wait3A_58 : memref<32xi32, #tpu.memory_space<hbm>>) dst(%arg5 : memref<32xi32, #tpu.memory_space<vmem>>)
      tpu.yield
    }) : () -> ()
    %dma_start3A = arith.constant 0 : i32
    %dma_start3A_3 = arith.constant 0 : i32
    %dma_start3A_4 = arith.constant 0 : i32
    %dma_start3A_5 = tpu.memref_slice %arg2[%dma_start3A, %dma_start3A_3, %dma_start3A_4] : memref<4x100000x128xf32, #tpu.memory_space<hbm>> -> memref<1x100000x128xf32, #tpu.memory_space<hbm>>
    %dma_start3A_6 = tpu.memref_squeeze %dma_start3A_5 : memref<1x100000x128xf32, #tpu.memory_space<hbm>> -> memref<100000x128xf32, #tpu.memory_space<hbm>>
    %dma_start3A_7 = arith.constant 0 : i32
    %dma_start3A_8 = arith.constant 0 : i32
    %dma_start3A_9 = tpu.memref_slice %dma_start3A_6[%dma_start3A_7, %dma_start3A_8] : memref<100000x128xf32, #tpu.memory_space<hbm>> -> memref<100000x128xf32, #tpu.memory_space<hbm>>
    tpu.enqueue_indirect_dma source(%dma_start3A_9 : memref<100000x128xf32, #tpu.memory_space<hbm>>) target(%arg6 : memref<32x128xf32, #tpu.memory_space<vmem>>) offsets(%arg5 : memref<32xi32, #tpu.memory_space<vmem>>) semaphore(%arg7 : memref<!tpu.dma_semaphore, #tpu.memory_space<semaphore_mem>>)
    %dma_wait3A = arith.constant 0 : i32
    %dma_wait3A_10 = arith.constant 0 : i32
    %dma_wait3A_11 = arith.constant 0 : i32
    %dma_wait3A_12 = tpu.memref_slice %arg2[%dma_wait3A, %dma_wait3A_10, %dma_wait3A_11] : memref<4x100000x128xf32, #tpu.memory_space<hbm>> -> memref<1x100000x128xf32, #tpu.memory_space<hbm>>
    %dma_wait3A_13 = tpu.memref_squeeze %dma_wait3A_12 : memref<1x100000x128xf32, #tpu.memory_space<hbm>> -> memref<100000x128xf32, #tpu.memory_space<hbm>>
    %dma_wait3A_14 = arith.constant 0 : i32
    %dma_wait3A_15 = arith.constant 0 : i32
    %dma_wait3A_16 = tpu.memref_slice %dma_wait3A_13[%dma_wait3A_14, %dma_wait3A_15] : memref<100000x128xf32, #tpu.memory_space<hbm>> -> memref<100000x128xf32, #tpu.memory_space<hbm>>
    tpu.wait_indirect_dma semaphore(%arg7 : memref<!tpu.dma_semaphore, #tpu.memory_space<semaphore_mem>>) src(%dma_wait3A_16 : memref<100000x128xf32, #tpu.memory_space<hbm>>) dst(%arg6 : memref<32x128xf32, #tpu.memory_space<vmem>>)
    %add3A_17 = arith.constant 0 : i32
    %add3A_18 = arith.addi %add3A_17, %mul3A_2 : i32
    "tpu.region"() ({
      %run_scoped3A = tpu.sem_alloc : memref<!tpu.dma_semaphore, #tpu.memory_space<semaphore_mem>>
      %dma_start3A_55 = arith.constant 0 : i32
      %dma_start3A_56 = tpu.memref_slice %arg4[%add3A_18, %dma_start3A_55] : memref<3072x128xf32, #tpu.memory_space<hbm>> -> memref<32x128xf32, #tpu.memory_space<hbm>>
      %dma_start3A_57 = arith.constant 0 : i32
      %dma_start3A_58 = tpu.memref_slice %arg4[%add3A_18, %dma_start3A_57] : memref<3072x128xf32, #tpu.memory_space<hbm>> -> memref<32x128xf32, #tpu.memory_space<hbm>>
      tpu.enqueue_dma source(%arg6 : memref<32x128xf32, #tpu.memory_space<vmem>>) target(%dma_start3A_58 : memref<32x128xf32, #tpu.memory_space<hbm>>) target_semaphore(%run_scoped3A : memref<!tpu.dma_semaphore, #tpu.memory_space<semaphore_mem>>)
      %dma_wait3A_59 = arith.constant 0 : i32
      %dma_wait3A_60 = tpu.memref_slice %arg4[%add3A_18, %dma_wait3A_59] : memref<3072x128xf32, #tpu.memory_space<hbm>> -> memref<32x128xf32, #tpu.memory_space<hbm>>
      %dma_wait3A_61 = arith.constant 0 : i32
      %dma_wait3A_62 = tpu.memref_slice %arg4[%add3A_18, %dma_wait3A_61] : memref<3072x128xf32, #tpu.memory_space<hbm>> -> memref<32x128xf32, #tpu.memory_space<hbm>>
      tpu.wait_dma2 semaphore(%run_scoped3A : memref<!tpu.dma_semaphore, #tpu.memory_space<semaphore_mem>>) src(%arg6 : memref<32x128xf32, #tpu.memory_space<vmem>>) dst(%dma_wait3A_62 : memref<32x128xf32, #tpu.memory_space<hbm>>)
      tpu.yield
    }) : () -> ()
    %dma_start3A_19 = arith.constant 1 : i32
    %dma_start3A_20 = arith.constant 0 : i32
    %dma_start3A_21 = arith.constant 0 : i32
    %dma_start3A_22 = tpu.memref_slice %arg2[%dma_start3A_19, %dma_start3A_20, %dma_start3A_21] : memref<4x100000x128xf32, #tpu.memory_space<hbm>> -> memref<1x100000x128xf32, #tpu.memory_space<hbm>>
    %dma_start3A_23 = tpu.memref_squeeze %dma_start3A_22 : memref<1x100000x128xf32, #tpu.memory_space<hbm>> -> memref<100000x128xf32, #tpu.memory_space<hbm>>
    %dma_start3A_24 = arith.constant 0 : i32
    %dma_start3A_25 = arith.constant 0 : i32
    %dma_start3A_26 = tpu.memref_slice %dma_start3A_23[%dma_start3A_24, %dma_start3A_25] : memref<100000x128xf32, #tpu.memory_space<hbm>> -> memref<100000x128xf32, #tpu.memory_space<hbm>>
    tpu.enqueue_indirect_dma source(%dma_start3A_26 : memref<100000x128xf32, #tpu.memory_space<hbm>>) target(%arg6 : memref<32x128xf32, #tpu.memory_space<vmem>>) offsets(%arg5 : memref<32xi32, #tpu.memory_space<vmem>>) semaphore(%arg7 : memref<!tpu.dma_semaphore, #tpu.memory_space<semaphore_mem>>)
    %dma_wait3A_27 = arith.constant 1 : i32
    %dma_wait3A_28 = arith.constant 0 : i32
    %dma_wait3A_29 = arith.constant 0 : i32
    %dma_wait3A_30 = tpu.memref_slice %arg2[%dma_wait3A_27, %dma_wait3A_28, %dma_wait3A_29] : memref<4x100000x128xf32, #tpu.memory_space<hbm>> -> memref<1x100000x128xf32, #tpu.memory_space<hbm>>
    %dma_wait3A_31 = tpu.memref_squeeze %dma_wait3A_30 : memref<1x100000x128xf32, #tpu.memory_space<hbm>> -> memref<100000x128xf32, #tpu.memory_space<hbm>>
    %dma_wait3A_32 = arith.constant 0 : i32
    %dma_wait3A_33 = arith.constant 0 : i32
    %dma_wait3A_34 = tpu.memref_slice %dma_wait3A_31[%dma_wait3A_32, %dma_wait3A_33] : memref<100000x128xf32, #tpu.memory_space<hbm>> -> memref<100000x128xf32, #tpu.memory_space<hbm>>
    tpu.wait_indirect_dma semaphore(%arg7 : memref<!tpu.dma_semaphore, #tpu.memory_space<semaphore_mem>>) src(%dma_wait3A_34 : memref<100000x128xf32, #tpu.memory_space<hbm>>) dst(%arg6 : memref<32x128xf32, #tpu.memory_space<vmem>>)
    %add3A_35 = arith.constant 1024 : i32
    %add3A_36 = arith.addi %add3A_35, %mul3A_2 : i32
    "tpu.region"() ({
      %run_scoped3A = tpu.sem_alloc : memref<!tpu.dma_semaphore, #tpu.memory_space<semaphore_mem>>
      %dma_start3A_55 = arith.constant 0 : i32
      %dma_start3A_56 = tpu.memref_slice %arg4[%add3A_36, %dma_start3A_55] : memref<3072x128xf32, #tpu.memory_space<hbm>> -> memref<32x128xf32, #tpu.memory_space<hbm>>
      %dma_start3A_57 = arith.constant 0 : i32
      %dma_start3A_58 = tpu.memref_slice %arg4[%add3A_36, %dma_start3A_57] : memref<3072x128xf32, #tpu.memory_space<hbm>> -> memref<32x128xf32, #tpu.memory_space<hbm>>
      tpu.enqueue_dma source(%arg6 : memref<32x128xf32, #tpu.memory_space<vmem>>) target(%dma_start3A_58 : memref<32x128xf32, #tpu.memory_space<hbm>>) target_semaphore(%run_scoped3A : memref<!tpu.dma_semaphore, #tpu.memory_space<semaphore_mem>>)
      %dma_wait3A_59 = arith.constant 0 : i32
      %dma_wait3A_60 = tpu.memref_slice %arg4[%add3A_36, %dma_wait3A_59] : memref<3072x128xf32, #tpu.memory_space<hbm>> -> memref<32x128xf32, #tpu.memory_space<hbm>>
      %dma_wait3A_61 = arith.constant 0 : i32
      %dma_wait3A_62 = tpu.memref_slice %arg4[%add3A_36, %dma_wait3A_61] : memref<3072x128xf32, #tpu.memory_space<hbm>> -> memref<32x128xf32, #tpu.memory_space<hbm>>
      tpu.wait_dma2 semaphore(%run_scoped3A : memref<!tpu.dma_semaphore, #tpu.memory_space<semaphore_mem>>) src(%arg6 : memref<32x128xf32, #tpu.memory_space<vmem>>) dst(%dma_wait3A_62 : memref<32x128xf32, #tpu.memory_space<hbm>>)
      tpu.yield
    }) : () -> ()
    %dma_start3A_37 = arith.constant 2 : i32
    %dma_start3A_38 = arith.constant 0 : i32
    %dma_start3A_39 = arith.constant 0 : i32
    %dma_start3A_40 = tpu.memref_slice %arg2[%dma_start3A_37, %dma_start3A_38, %dma_start3A_39] : memref<4x100000x128xf32, #tpu.memory_space<hbm>> -> memref<1x100000x128xf32, #tpu.memory_space<hbm>>
    %dma_start3A_41 = tpu.memref_squeeze %dma_start3A_40 : memref<1x100000x128xf32, #tpu.memory_space<hbm>> -> memref<100000x128xf32, #tpu.memory_space<hbm>>
    %dma_start3A_42 = arith.constant 0 : i32
    %dma_start3A_43 = arith.constant 0 : i32
    %dma_start3A_44 = tpu.memref_slice %dma_start3A_41[%dma_start3A_42, %dma_start3A_43] : memref<100000x128xf32, #tpu.memory_space<hbm>> -> memref<100000x128xf32, #tpu.memory_space<hbm>>
    tpu.enqueue_indirect_dma source(%dma_start3A_44 : memref<100000x128xf32, #tpu.memory_space<hbm>>) target(%arg6 : memref<32x128xf32, #tpu.memory_space<vmem>>) offsets(%arg5 : memref<32xi32, #tpu.memory_space<vmem>>) semaphore(%arg7 : memref<!tpu.dma_semaphore, #tpu.memory_space<semaphore_mem>>)
    %dma_wait3A_45 = arith.constant 2 : i32
    %dma_wait3A_46 = arith.constant 0 : i32
    %dma_wait3A_47 = arith.constant 0 : i32
    %dma_wait3A_48 = tpu.memref_slice %arg2[%dma_wait3A_45, %dma_wait3A_46, %dma_wait3A_47] : memref<4x100000x128xf32, #tpu.memory_space<hbm>> -> memref<1x100000x128xf32, #tpu.memory_space<hbm>>
    %dma_wait3A_49 = tpu.memref_squeeze %dma_wait3A_48 : memref<1x100000x128xf32, #tpu.memory_space<hbm>> -> memref<100000x128xf32, #tpu.memory_space<hbm>>
    %dma_wait3A_50 = arith.constant 0 : i32
    %dma_wait3A_51 = arith.constant 0 : i32
    %dma_wait3A_52 = tpu.memref_slice %dma_wait3A_49[%dma_wait3A_50, %dma_wait3A_51] : memref<100000x128xf32, #tpu.memory_space<hbm>> -> memref<100000x128xf32, #tpu.memory_space<hbm>>
    tpu.wait_indirect_dma semaphore(%arg7 : memref<!tpu.dma_semaphore, #tpu.memory_space<semaphore_mem>>) src(%dma_wait3A_52 : memref<100000x128xf32, #tpu.memory_space<hbm>>) dst(%arg6 : memref<32x128xf32, #tpu.memory_space<vmem>>)
    %add3A_53 = arith.constant 2048 : i32
    %add3A_54 = arith.addi %add3A_53, %mul3A_2 : i32
    "tpu.region"() ({
      %run_scoped3A = tpu.sem_alloc : memref<!tpu.dma_semaphore, #tpu.memory_space<semaphore_mem>>
      %dma_start3A_55 = arith.constant 0 : i32
      %dma_start3A_56 = tpu.memref_slice %arg4[%add3A_54, %dma_start3A_55] : memref<3072x128xf32, #tpu.memory_space<hbm>> -> memref<32x128xf32, #tpu.memory_space<hbm>>
      %dma_start3A_57 = arith.constant 0 : i32
      %dma_start3A_58 = tpu.memref_slice %arg4[%add3A_54, %dma_start3A_57] : memref<3072x128xf32, #tpu.memory_space<hbm>> -> memref<32x128xf32, #tpu.memory_space<hbm>>
      tpu.enqueue_dma source(%arg6 : memref<32x128xf32, #tpu.memory_space<vmem>>) target(%dma_start3A_58 : memref<32x128xf32, #tpu.memory_space<hbm>>) target_semaphore(%run_scoped3A : memref<!tpu.dma_semaphore, #tpu.memory_space<semaphore_mem>>)
      %dma_wait3A_59 = arith.constant 0 : i32
      %dma_wait3A_60 = tpu.memref_slice %arg4[%add3A_54, %dma_wait3A_59] : memref<3072x128xf32, #tpu.memory_space<hbm>> -> memref<32x128xf32, #tpu.memory_space<hbm>>
      %dma_wait3A_61 = arith.constant 0 : i32
      %dma_wait3A_62 = tpu.memref_slice %arg4[%add3A_54, %dma_wait3A_61] : memref<3072x128xf32, #tpu.memory_space<hbm>> -> memref<32x128xf32, #tpu.memory_space<hbm>>
      tpu.wait_dma2 semaphore(%run_scoped3A : memref<!tpu.dma_semaphore, #tpu.memory_space<semaphore_mem>>) src(%arg6 : memref<32x128xf32, #tpu.memory_space<vmem>>) dst(%dma_wait3A_62 : memref<32x128xf32, #tpu.memory_space<hbm>>)
      tpu.yield
    }) : () -> ()
    return
  }
}

#map = affine_map<(d0, d1) -> (0, 0, 0)>
module attributes {stable_mosaic.version = 14 : i64} {
  func.func @_tec_kcopy(%arg0: i32, %arg1: i32, %arg2: memref<4x100000x128xf32, #tpu.memory_space<hbm>>, %arg3: memref<4x100000x128xf32, #tpu.memory_space<hbm>>, %arg4: memref<400x128xf32, #tpu.memory_space<vmem>>, %arg5: memref<400x128xf32, #tpu.memory_space<vmem>>, %arg6: memref<!tpu.dma_semaphore, #tpu.memory_space<semaphore_mem>>, %arg7: memref<!tpu.dma_semaphore, #tpu.memory_space<semaphore_mem>>) attributes {dimension_semantics = [#tpu.dimension_semantics<core_parallel>, #tpu.dimension_semantics<subcore_parallel>], iteration_bounds = array<i64: 2, 16>, scalar_prefetch = 0 : i64, scratch_operands = 4 : i64, tpu.core_type = #tpu.core_type<sc_vector_subcore>, window_params = [{transform_indices = #map}, {transform_indices = #map}]} {
    %mul3A = arith.constant 2 : i32
    %mul3A_0 = arith.muli %arg1, %mul3A : i32
    %add3A = arith.addi %mul3A_0, %arg0 : i32
    %lt3A = arith.constant 8 : i32
    %lt3A_1 = arith.cmpi slt, %add3A, %lt3A : i32
    %jit3A = arith.constant 1 : i32
    %jit3A_2 = arith.constant 0 : i32
    %select_n3A = arith.select %lt3A_1, %jit3A, %jit3A_2 : i32
    %add3A_3 = arith.constant 31 : i32
    %add3A_4 = arith.addi %add3A_3, %select_n3A : i32
    %while3A = arith.constant 0 : i32
    %while3A_5 = arith.constant 0 : i32
    %while3A_6 = arith.subi %add3A_4, %while3A : i32
    %while3A_7 = arith.addi %while3A, %while3A_6 : i32
    %while3A_8 = arith.constant 1 : i32
    %while3A_9 = arith.divsi %while3A_6, %while3A_8 : i32
    %while3A_10 = arith.muli %while3A_9, %while3A_8 : i32
    %while3A_11 = arith.addi %while3A, %while3A_10 : i32
    %while3A_12 = arith.constant 1 : i32
    %while3A_13 = scf.for %while3A_33 = %while3A to %while3A_11 step %while3A_12 iter_args(%while3A_34 = %while3A_5) -> (i32)  : i32 {
      %mul3A_35 = arith.constant 32 : i32
      %mul3A_36 = arith.muli %mul3A_35, %while3A_33 : i32
      %add3A_37 = arith.addi %add3A, %mul3A_36 : i32
      %jit3A_38 = arith.constant 250 : i32
      %div3A = arith.divsi %add3A_37, %jit3A_38 : i32
      %sign3A = arith.constant 0 : i32
      %sign3A_39 = arith.cmpi sgt, %add3A_37, %sign3A : i32
      %sign3A_40 = arith.extui %sign3A_39 : i1 to i32
      %sign3A_41 = arith.constant 0 : i32
      %sign3A_42 = arith.cmpi slt, %add3A_37, %sign3A_41 : i32
      %sign3A_43 = arith.extui %sign3A_42 : i1 to i32
      %sign3A_44 = arith.subi %sign3A_40, %sign3A_43 : i32
      %sign3A_45 = arith.constant 0 : i32
      %sign3A_46 = arith.cmpi sgt, %jit3A_38, %sign3A_45 : i32
      %sign3A_47 = arith.extui %sign3A_46 : i1 to i32
      %sign3A_48 = arith.constant 0 : i32
      %sign3A_49 = arith.cmpi slt, %jit3A_38, %sign3A_48 : i32
      %sign3A_50 = arith.extui %sign3A_49 : i1 to i32
      %sign3A_51 = arith.subi %sign3A_47, %sign3A_50 : i32
      %ne3A = arith.cmpi ne, %sign3A_44, %sign3A_51 : i32
      %rem3A = arith.remsi %add3A_37, %jit3A_38 : i32
      %ne3A_52 = arith.constant 0 : i32
      %ne3A_53 = arith.cmpi ne, %rem3A, %ne3A_52 : i32
      %and3A = arith.andi %ne3A, %ne3A_53 : i1
      %sub3A = arith.constant 1 : i32
      %sub3A_54 = arith.subi %div3A, %sub3A : i32
      %select_n3A_55 = arith.select %and3A, %sub3A_54, %div3A : i32
      %jit3A_56 = arith.constant 250 : i32
      %eq3A = arith.constant 0 : i32
      %eq3A_57 = arith.cmpi eq, %jit3A_56, %eq3A : i32
      %jit3A_58 = arith.constant 1 : i32
      %select_n3A_59 = arith.select %eq3A_57, %jit3A_58, %jit3A_56 : i32
      %rem3A_60 = arith.remsi %add3A_37, %select_n3A_59 : i32
      %ne3A_61 = arith.constant 0 : i32
      %ne3A_62 = arith.cmpi ne, %rem3A_60, %ne3A_61 : i32
      %lt3A_63 = arith.constant 0 : i32
      %lt3A_64 = arith.cmpi slt, %rem3A_60, %lt3A_63 : i32
      %lt3A_65 = arith.constant 0 : i32
      %lt3A_66 = arith.cmpi slt, %select_n3A_59, %lt3A_65 : i32
      %ne3A_67 = arith.xori %lt3A_64, %lt3A_66 : i1
      %and3A_68 = arith.andi %ne3A_67, %ne3A_62 : i1
      %add3A_69 = arith.addi %rem3A_60, %select_n3A_59 : i32
      %select_n3A_70 = arith.select %and3A_68, %add3A_69, %rem3A_60 : i32
      %mul3A_71 = arith.constant 400 : i32
      %mul3A_72 = arith.muli %select_n3A_70, %mul3A_71 : i32
      %jit3A_73 = arith.constant 2 : i32
      %eq3A_74 = arith.constant 0 : i32
      %eq3A_75 = arith.cmpi eq, %jit3A_73, %eq3A_74 : i32
      %jit3A_76 = arith.constant 1 : i32
      %select_n3A_77 = arith.select %eq3A_75, %jit3A_76, %jit3A_73 : i32
      %rem3A_78 = arith.remsi %while3A_33, %select_n3A_77 : i32
      %ne3A_79 = arith.constant 0 : i32
      %ne3A_80 = arith.cmpi ne, %rem3A_78, %ne3A_79 : i32
      %lt3A_81 = arith.constant 0 : i32
      %lt3A_82 = arith.cmpi slt, %rem3A_78, %lt3A_81 : i32
      %lt3A_83 = arith.constant 0 : i32
      %lt3A_84 = arith.cmpi slt, %select_n3A_77, %lt3A_83 : i32
      %ne3A_85 = arith.xori %lt3A_82, %lt3A_84 : i1
      %and3A_86 = arith.andi %ne3A_85, %ne3A_80 : i1
      %add3A_87 = arith.addi %rem3A_78, %select_n3A_77 : i32
      %select_n3A_88 = arith.select %and3A_86, %add3A_87, %rem3A_78 : i32
      %eq3A_89 = arith.constant 0 : i32
      %eq3A_90 = arith.cmpi eq, %select_n3A_88, %eq3A_89 : i32
      %convert_element_type3A = arith.extui %eq3A_90 : i1 to i32
      %cond3A = arith.constant 0 : i32
      %cond3A_91 = arith.cmpi ne, %convert_element_type3A, %cond3A : i32
      scf.if %cond3A_91 {
        %ge3A = arith.constant 2 : i32
        %ge3A_114 = arith.cmpi sge, %while3A_33, %ge3A : i32
        %convert_element_type3A_115 = arith.extui %ge3A_114 : i1 to i32
        %cond3A_116 = arith.constant 0 : i32
        %cond3A_117 = arith.cmpi ne, %convert_element_type3A_115, %cond3A_116 : i32
        scf.if %cond3A_117 {
          %sub3A_135 = arith.constant 2 : i32
          %sub3A_136 = arith.subi %while3A_33, %sub3A_135 : i32
          %mul3A_137 = arith.constant 32 : i32
          %mul3A_138 = arith.muli %mul3A_137, %sub3A_136 : i32
          %add3A_139 = arith.addi %add3A, %mul3A_138 : i32
          %jit3A_140 = arith.constant 250 : i32
          %div3A_141 = arith.divsi %add3A_139, %jit3A_140 : i32
          %sign3A_142 = arith.constant 0 : i32
          %sign3A_143 = arith.cmpi sgt, %add3A_139, %sign3A_142 : i32
          %sign3A_144 = arith.extui %sign3A_143 : i1 to i32
          %sign3A_145 = arith.constant 0 : i32
          %sign3A_146 = arith.cmpi slt, %add3A_139, %sign3A_145 : i32
          %sign3A_147 = arith.extui %sign3A_146 : i1 to i32
          %sign3A_148 = arith.subi %sign3A_144, %sign3A_147 : i32
          %sign3A_149 = arith.constant 0 : i32
          %sign3A_150 = arith.cmpi sgt, %jit3A_140, %sign3A_149 : i32
          %sign3A_151 = arith.extui %sign3A_150 : i1 to i32
          %sign3A_152 = arith.constant 0 : i32
          %sign3A_153 = arith.cmpi slt, %jit3A_140, %sign3A_152 : i32
          %sign3A_154 = arith.extui %sign3A_153 : i1 to i32
          %sign3A_155 = arith.subi %sign3A_151, %sign3A_154 : i32
          %ne3A_156 = arith.cmpi ne, %sign3A_148, %sign3A_155 : i32
          %rem3A_157 = arith.remsi %add3A_139, %jit3A_140 : i32
          %ne3A_158 = arith.constant 0 : i32
          %ne3A_159 = arith.cmpi ne, %rem3A_157, %ne3A_158 : i32
          %and3A_160 = arith.andi %ne3A_156, %ne3A_159 : i1
          %sub3A_161 = arith.constant 1 : i32
          %sub3A_162 = arith.subi %div3A_141, %sub3A_161 : i32
          %select_n3A_163 = arith.select %and3A_160, %sub3A_162, %div3A_141 : i32
          %jit3A_164 = arith.constant 250 : i32
          %eq3A_165 = arith.constant 0 : i32
          %eq3A_166 = arith.cmpi eq, %jit3A_164, %eq3A_165 : i32
          %jit3A_167 = arith.constant 1 : i32
          %select_n3A_168 = arith.select %eq3A_166, %jit3A_167, %jit3A_164 : i32
          %rem3A_169 = arith.remsi %add3A_139, %select_n3A_168 : i32
          %ne3A_170 = arith.constant 0 : i32
          %ne3A_171 = arith.cmpi ne, %rem3A_169, %ne3A_170 : i32
          %lt3A_172 = arith.constant 0 : i32
          %lt3A_173 = arith.cmpi slt, %rem3A_169, %lt3A_172 : i32
          %lt3A_174 = arith.constant 0 : i32
          %lt3A_175 = arith.cmpi slt, %select_n3A_168, %lt3A_174 : i32
          %ne3A_176 = arith.xori %lt3A_173, %lt3A_175 : i1
          %and3A_177 = arith.andi %ne3A_176, %ne3A_171 : i1
          %add3A_178 = arith.addi %rem3A_169, %select_n3A_168 : i32
          %select_n3A_179 = arith.select %and3A_177, %add3A_178, %rem3A_169 : i32
          %mul3A_180 = arith.constant 400 : i32
          %mul3A_181 = arith.muli %select_n3A_179, %mul3A_180 : i32
          %dma_wait3A_182 = arith.constant 0 : i32
          %dma_wait3A_183 = tpu.memref_slice %arg3[%select_n3A_163, %mul3A_181, %dma_wait3A_182] : memref<4x100000x128xf32, #tpu.memory_space<hbm>> -> memref<1x400x128xf32, #tpu.memory_space<hbm>>
          %dma_wait3A_184 = tpu.memref_squeeze %dma_wait3A_183 : memref<1x400x128xf32, #tpu.memory_space<hbm>> -> memref<400x128xf32, #tpu.memory_space<hbm>>
          %dma_wait3A_185 = arith.constant 0 : i32
          %dma_wait3A_186 = tpu.memref_slice %arg3[%select_n3A_163, %mul3A_181, %dma_wait3A_185] : memref<4x100000x128xf32, #tpu.memory_space<hbm>> -> memref<1x400x128xf32, #tpu.memory_space<hbm>>
          %dma_wait3A_187 = tpu.memref_squeeze %dma_wait3A_186 : memref<1x400x128xf32, #tpu.memory_space<hbm>> -> memref<400x128xf32, #tpu.memory_space<hbm>>
          tpu.wait_dma2 semaphore(%arg7 : memref<!tpu.dma_semaphore, #tpu.memory_space<semaphore_mem>>) src(%arg4 : memref<400x128xf32, #tpu.memory_space<vmem>>) dst(%dma_wait3A_187 : memref<400x128xf32, #tpu.memory_space<hbm>>)
        } else {
        }
        %dma_start3A = arith.constant 0 : i32
        %dma_start3A_118 = tpu.memref_slice %arg2[%select_n3A_55, %mul3A_72, %dma_start3A] : memref<4x100000x128xf32, #tpu.memory_space<hbm>> -> memref<1x400x128xf32, #tpu.memory_space<hbm>>
        %dma_start3A_119 = tpu.memref_squeeze %dma_start3A_118 : memref<1x400x128xf32, #tpu.memory_space<hbm>> -> memref<400x128xf32, #tpu.memory_space<hbm>>
        %dma_start3A_120 = arith.constant 0 : i32
        %dma_start3A_121 = tpu.memref_slice %arg2[%select_n3A_55, %mul3A_72, %dma_start3A_120] : memref<4x100000x128xf32, #tpu.memory_space<hbm>> -> memref<1x400x128xf32, #tpu.memory_space<hbm>>
        %dma_start3A_122 = tpu.memref_squeeze %dma_start3A_121 : memref<1x400x128xf32, #tpu.memory_space<hbm>> -> memref<400x128xf32, #tpu.memory_space<hbm>>
        tpu.enqueue_dma source(%dma_start3A_122 : memref<400x128xf32, #tpu.memory_space<hbm>>) target(%arg4 : memref<400x128xf32, #tpu.memory_space<vmem>>) target_semaphore(%arg6 : memref<!tpu.dma_semaphore, #tpu.memory_space<semaphore_mem>>)
        %dma_wait3A_123 = arith.constant 0 : i32
        %dma_wait3A_124 = tpu.memref_slice %arg2[%select_n3A_55, %mul3A_72, %dma_wait3A_123] : memref<4x100000x128xf32, #tpu.memory_space<hbm>> -> memref<1x400x128xf32, #tpu.memory_space<hbm>>
        %dma_wait3A_125 = tpu.memref_squeeze %dma_wait3A_124 : memref<1x400x128xf32, #tpu.memory_space<hbm>> -> memref<400x128xf32, #tpu.memory_space<hbm>>
        %dma_wait3A_126 = arith.constant 0 : i32
        %dma_wait3A_127 = tpu.memref_slice %arg2[%select_n3A_55, %mul3A_72, %dma_wait3A_126] : memref<4x100000x128xf32, #tpu.memory_space<hbm>> -> memref<1x400x128xf32, #tpu.memory_space<hbm>>
        %dma_wait3A_128 = tpu.memref_squeeze %dma_wait3A_127 : memref<1x400x128xf32, #tpu.memory_space<hbm>> -> memref<400x128xf32, #tpu.memory_space<hbm>>
        tpu.wait_dma2 semaphore(%arg6 : memref<!tpu.dma_semaphore, #tpu.memory_space<semaphore_mem>>) src(%dma_wait3A_128 : memref<400x128xf32, #tpu.memory_space<hbm>>) dst(%arg4 : memref<400x128xf32, #tpu.memory_space<vmem>>)
        %dma_start3A_129 = arith.constant 0 : i32
        %dma_start3A_130 = tpu.memref_slice %arg3[%select_n3A_55, %mul3A_72, %dma_start3A_129] : memref<4x100000x128xf32, #tpu.memory_space<hbm>> -> memref<1x400x128xf32, #tpu.memory_space<hbm>>
        %dma_start3A_131 = tpu.memref_squeeze %dma_start3A_130 : memref<1x400x128xf32, #tpu.memory_space<hbm>> -> memref<400x128xf32, #tpu.memory_space<hbm>>
        %dma_start3A_132 = arith.constant 0 : i32
        %dma_start3A_133 = tpu.memref_slice %arg3[%select_n3A_55, %mul3A_72, %dma_start3A_132] : memref<4x100000x128xf32, #tpu.memory_space<hbm>> -> memref<1x400x128xf32, #tpu.memory_space<hbm>>
        %dma_start3A_134 = tpu.memref_squeeze %dma_start3A_133 : memref<1x400x128xf32, #tpu.memory_space<hbm>> -> memref<400x128xf32, #tpu.memory_space<hbm>>
        tpu.enqueue_dma source(%arg4 : memref<400x128xf32, #tpu.memory_space<vmem>>) target(%dma_start3A_134 : memref<400x128xf32, #tpu.memory_space<hbm>>) target_semaphore(%arg7 : memref<!tpu.dma_semaphore, #tpu.memory_space<semaphore_mem>>)
      } else {
      }
      %jit3A_92 = arith.constant 2 : i32
      %eq3A_93 = arith.constant 0 : i32
      %eq3A_94 = arith.cmpi eq, %jit3A_92, %eq3A_93 : i32
      %jit3A_95 = arith.constant 1 : i32
      %select_n3A_96 = arith.select %eq3A_94, %jit3A_95, %jit3A_92 : i32
      %rem3A_97 = arith.remsi %while3A_33, %select_n3A_96 : i32
      %ne3A_98 = arith.constant 0 : i32
      %ne3A_99 = arith.cmpi ne, %rem3A_97, %ne3A_98 : i32
      %lt3A_100 = arith.constant 0 : i32
      %lt3A_101 = arith.cmpi slt, %rem3A_97, %lt3A_100 : i32
      %lt3A_102 = arith.constant 0 : i32
      %lt3A_103 = arith.cmpi slt, %select_n3A_96, %lt3A_102 : i32
      %ne3A_104 = arith.xori %lt3A_101, %lt3A_103 : i1
      %and3A_105 = arith.andi %ne3A_104, %ne3A_99 : i1
      %add3A_106 = arith.addi %rem3A_97, %select_n3A_96 : i32
      %select_n3A_107 = arith.select %and3A_105, %add3A_106, %rem3A_97 : i32
      %eq3A_108 = arith.constant 1 : i32
      %eq3A_109 = arith.cmpi eq, %select_n3A_107, %eq3A_108 : i32
      %convert_element_type3A_110 = arith.extui %eq3A_109 : i1 to i32
      %cond3A_111 = arith.constant 0 : i32
      %cond3A_112 = arith.cmpi ne, %convert_element_type3A_110, %cond3A_111 : i32
      scf.if %cond3A_112 {
        %ge3A = arith.constant 2 : i32
        %ge3A_114 = arith.cmpi sge, %while3A_33, %ge3A : i32
        %convert_element_type3A_115 = arith.extui %ge3A_114 : i1 to i32
        %cond3A_116 = arith.constant 0 : i32
        %cond3A_117 = arith.cmpi ne, %convert_element_type3A_115, %cond3A_116 : i32
        scf.if %cond3A_117 {
          %sub3A_135 = arith.constant 2 : i32
          %sub3A_136 = arith.subi %while3A_33, %sub3A_135 : i32
          %mul3A_137 = arith.constant 32 : i32
          %mul3A_138 = arith.muli %mul3A_137, %sub3A_136 : i32
          %add3A_139 = arith.addi %add3A, %mul3A_138 : i32
          %jit3A_140 = arith.constant 250 : i32
          %div3A_141 = arith.divsi %add3A_139, %jit3A_140 : i32
          %sign3A_142 = arith.constant 0 : i32
          %sign3A_143 = arith.cmpi sgt, %add3A_139, %sign3A_142 : i32
          %sign3A_144 = arith.extui %sign3A_143 : i1 to i32
          %sign3A_145 = arith.constant 0 : i32
          %sign3A_146 = arith.cmpi slt, %add3A_139, %sign3A_145 : i32
          %sign3A_147 = arith.extui %sign3A_146 : i1 to i32
          %sign3A_148 = arith.subi %sign3A_144, %sign3A_147 : i32
          %sign3A_149 = arith.constant 0 : i32
          %sign3A_150 = arith.cmpi sgt, %jit3A_140, %sign3A_149 : i32
          %sign3A_151 = arith.extui %sign3A_150 : i1 to i32
          %sign3A_152 = arith.constant 0 : i32
          %sign3A_153 = arith.cmpi slt, %jit3A_140, %sign3A_152 : i32
          %sign3A_154 = arith.extui %sign3A_153 : i1 to i32
          %sign3A_155 = arith.subi %sign3A_151, %sign3A_154 : i32
          %ne3A_156 = arith.cmpi ne, %sign3A_148, %sign3A_155 : i32
          %rem3A_157 = arith.remsi %add3A_139, %jit3A_140 : i32
          %ne3A_158 = arith.constant 0 : i32
          %ne3A_159 = arith.cmpi ne, %rem3A_157, %ne3A_158 : i32
          %and3A_160 = arith.andi %ne3A_156, %ne3A_159 : i1
          %sub3A_161 = arith.constant 1 : i32
          %sub3A_162 = arith.subi %div3A_141, %sub3A_161 : i32
          %select_n3A_163 = arith.select %and3A_160, %sub3A_162, %div3A_141 : i32
          %jit3A_164 = arith.constant 250 : i32
          %eq3A_165 = arith.constant 0 : i32
          %eq3A_166 = arith.cmpi eq, %jit3A_164, %eq3A_165 : i32
          %jit3A_167 = arith.constant 1 : i32
          %select_n3A_168 = arith.select %eq3A_166, %jit3A_167, %jit3A_164 : i32
          %rem3A_169 = arith.remsi %add3A_139, %select_n3A_168 : i32
          %ne3A_170 = arith.constant 0 : i32
          %ne3A_171 = arith.cmpi ne, %rem3A_169, %ne3A_170 : i32
          %lt3A_172 = arith.constant 0 : i32
          %lt3A_173 = arith.cmpi slt, %rem3A_169, %lt3A_172 : i32
          %lt3A_174 = arith.constant 0 : i32
          %lt3A_175 = arith.cmpi slt, %select_n3A_168, %lt3A_174 : i32
          %ne3A_176 = arith.xori %lt3A_173, %lt3A_175 : i1
          %and3A_177 = arith.andi %ne3A_176, %ne3A_171 : i1
          %add3A_178 = arith.addi %rem3A_169, %select_n3A_168 : i32
          %select_n3A_179 = arith.select %and3A_177, %add3A_178, %rem3A_169 : i32
          %mul3A_180 = arith.constant 400 : i32
          %mul3A_181 = arith.muli %select_n3A_179, %mul3A_180 : i32
          %dma_wait3A_182 = arith.constant 0 : i32
          %dma_wait3A_183 = tpu.memref_slice %arg3[%select_n3A_163, %mul3A_181, %dma_wait3A_182] : memref<4x100000x128xf32, #tpu.memory_space<hbm>> -> memref<1x400x128xf32, #tpu.memory_space<hbm>>
          %dma_wait3A_184 = tpu.memref_squeeze %dma_wait3A_183 : memref<1x400x128xf32, #tpu.memory_space<hbm>> -> memref<400x128xf32, #tpu.memory_space<hbm>>
          %dma_wait3A_185 = arith.constant 0 : i32
          %dma_wait3A_186 = tpu.memref_slice %arg3[%select_n3A_163, %mul3A_181, %dma_wait3A_185] : memref<4x100000x128xf32, #tpu.memory_space<hbm>> -> memref<1x400x128xf32, #tpu.memory_space<hbm>>
          %dma_wait3A_187 = tpu.memref_squeeze %dma_wait3A_186 : memref<1x400x128xf32, #tpu.memory_space<hbm>> -> memref<400x128xf32, #tpu.memory_space<hbm>>
          tpu.wait_dma2 semaphore(%arg7 : memref<!tpu.dma_semaphore, #tpu.memory_space<semaphore_mem>>) src(%arg5 : memref<400x128xf32, #tpu.memory_space<vmem>>) dst(%dma_wait3A_187 : memref<400x128xf32, #tpu.memory_space<hbm>>)
        } else {
        }
        %dma_start3A = arith.constant 0 : i32
        %dma_start3A_118 = tpu.memref_slice %arg2[%select_n3A_55, %mul3A_72, %dma_start3A] : memref<4x100000x128xf32, #tpu.memory_space<hbm>> -> memref<1x400x128xf32, #tpu.memory_space<hbm>>
        %dma_start3A_119 = tpu.memref_squeeze %dma_start3A_118 : memref<1x400x128xf32, #tpu.memory_space<hbm>> -> memref<400x128xf32, #tpu.memory_space<hbm>>
        %dma_start3A_120 = arith.constant 0 : i32
        %dma_start3A_121 = tpu.memref_slice %arg2[%select_n3A_55, %mul3A_72, %dma_start3A_120] : memref<4x100000x128xf32, #tpu.memory_space<hbm>> -> memref<1x400x128xf32, #tpu.memory_space<hbm>>
        %dma_start3A_122 = tpu.memref_squeeze %dma_start3A_121 : memref<1x400x128xf32, #tpu.memory_space<hbm>> -> memref<400x128xf32, #tpu.memory_space<hbm>>
        tpu.enqueue_dma source(%dma_start3A_122 : memref<400x128xf32, #tpu.memory_space<hbm>>) target(%arg5 : memref<400x128xf32, #tpu.memory_space<vmem>>) target_semaphore(%arg6 : memref<!tpu.dma_semaphore, #tpu.memory_space<semaphore_mem>>)
        %dma_wait3A_123 = arith.constant 0 : i32
        %dma_wait3A_124 = tpu.memref_slice %arg2[%select_n3A_55, %mul3A_72, %dma_wait3A_123] : memref<4x100000x128xf32, #tpu.memory_space<hbm>> -> memref<1x400x128xf32, #tpu.memory_space<hbm>>
        %dma_wait3A_125 = tpu.memref_squeeze %dma_wait3A_124 : memref<1x400x128xf32, #tpu.memory_space<hbm>> -> memref<400x128xf32, #tpu.memory_space<hbm>>
        %dma_wait3A_126 = arith.constant 0 : i32
        %dma_wait3A_127 = tpu.memref_slice %arg2[%select_n3A_55, %mul3A_72, %dma_wait3A_126] : memref<4x100000x128xf32, #tpu.memory_space<hbm>> -> memref<1x400x128xf32, #tpu.memory_space<hbm>>
        %dma_wait3A_128 = tpu.memref_squeeze %dma_wait3A_127 : memref<1x400x128xf32, #tpu.memory_space<hbm>> -> memref<400x128xf32, #tpu.memory_space<hbm>>
        tpu.wait_dma2 semaphore(%arg6 : memref<!tpu.dma_semaphore, #tpu.memory_space<semaphore_mem>>) src(%dma_wait3A_128 : memref<400x128xf32, #tpu.memory_space<hbm>>) dst(%arg5 : memref<400x128xf32, #tpu.memory_space<vmem>>)
        %dma_start3A_129 = arith.constant 0 : i32
        %dma_start3A_130 = tpu.memref_slice %arg3[%select_n3A_55, %mul3A_72, %dma_start3A_129] : memref<4x100000x128xf32, #tpu.memory_space<hbm>> -> memref<1x400x128xf32, #tpu.memory_space<hbm>>
        %dma_start3A_131 = tpu.memref_squeeze %dma_start3A_130 : memref<1x400x128xf32, #tpu.memory_space<hbm>> -> memref<400x128xf32, #tpu.memory_space<hbm>>
        %dma_start3A_132 = arith.constant 0 : i32
        %dma_start3A_133 = tpu.memref_slice %arg3[%select_n3A_55, %mul3A_72, %dma_start3A_132] : memref<4x100000x128xf32, #tpu.memory_space<hbm>> -> memref<1x400x128xf32, #tpu.memory_space<hbm>>
        %dma_start3A_134 = tpu.memref_squeeze %dma_start3A_133 : memref<1x400x128xf32, #tpu.memory_space<hbm>> -> memref<400x128xf32, #tpu.memory_space<hbm>>
        tpu.enqueue_dma source(%arg5 : memref<400x128xf32, #tpu.memory_space<vmem>>) target(%dma_start3A_134 : memref<400x128xf32, #tpu.memory_space<hbm>>) target_semaphore(%arg7 : memref<!tpu.dma_semaphore, #tpu.memory_space<semaphore_mem>>)
      } else {
      }
      %while3A_113 = arith.constant 0 : i32
      scf.yield %while3A_113 : i32
    }
    %while3A_14 = arith.constant 1 : i32
    %while3A_15 = scf.for %while3A_33 = %while3A_11 to %while3A_7 step %while3A_14 iter_args(%while3A_34 = %while3A_13) -> (i32)  : i32 {
      %mul3A_35 = arith.constant 32 : i32
      %mul3A_36 = arith.muli %mul3A_35, %while3A_33 : i32
      %add3A_37 = arith.addi %add3A, %mul3A_36 : i32
      %jit3A_38 = arith.constant 250 : i32
      %div3A = arith.divsi %add3A_37, %jit3A_38 : i32
      %sign3A = arith.constant 0 : i32
      %sign3A_39 = arith.cmpi sgt, %add3A_37, %sign3A : i32
      %sign3A_40 = arith.extui %sign3A_39 : i1 to i32
      %sign3A_41 = arith.constant 0 : i32
      %sign3A_42 = arith.cmpi slt, %add3A_37, %sign3A_41 : i32
      %sign3A_43 = arith.extui %sign3A_42 : i1 to i32
      %sign3A_44 = arith.subi %sign3A_40, %sign3A_43 : i32
      %sign3A_45 = arith.constant 0 : i32
      %sign3A_46 = arith.cmpi sgt, %jit3A_38, %sign3A_45 : i32
      %sign3A_47 = arith.extui %sign3A_46 : i1 to i32
      %sign3A_48 = arith.constant 0 : i32
      %sign3A_49 = arith.cmpi slt, %jit3A_38, %sign3A_48 : i32
      %sign3A_50 = arith.extui %sign3A_49 : i1 to i32
      %sign3A_51 = arith.subi %sign3A_47, %sign3A_50 : i32
      %ne3A = arith.cmpi ne, %sign3A_44, %sign3A_51 : i32
      %rem3A = arith.remsi %add3A_37, %jit3A_38 : i32
      %ne3A_52 = arith.constant 0 : i32
      %ne3A_53 = arith.cmpi ne, %rem3A, %ne3A_52 : i32
      %and3A = arith.andi %ne3A, %ne3A_53 : i1
      %sub3A = arith.constant 1 : i32
      %sub3A_54 = arith.subi %div3A, %sub3A : i32
      %select_n3A_55 = arith.select %and3A, %sub3A_54, %div3A : i32
      %jit3A_56 = arith.constant 250 : i32
      %eq3A = arith.constant 0 : i32
      %eq3A_57 = arith.cmpi eq, %jit3A_56, %eq3A : i32
      %jit3A_58 = arith.constant 1 : i32
      %select_n3A_59 = arith.select %eq3A_57, %jit3A_58, %jit3A_56 : i32
      %rem3A_60 = arith.remsi %add3A_37, %select_n3A_59 : i32
      %ne3A_61 = arith.constant 0 : i32
      %ne3A_62 = arith.cmpi ne, %rem3A_60, %ne3A_61 : i32
      %lt3A_63 = arith.constant 0 : i32
      %lt3A_64 = arith.cmpi slt, %rem3A_60, %lt3A_63 : i32
      %lt3A_65 = arith.constant 0 : i32
      %lt3A_66 = arith.cmpi slt, %select_n3A_59, %lt3A_65 : i32
      %ne3A_67 = arith.xori %lt3A_64, %lt3A_66 : i1
      %and3A_68 = arith.andi %ne3A_67, %ne3A_62 : i1
      %add3A_69 = arith.addi %rem3A_60, %select_n3A_59 : i32
      %select_n3A_70 = arith.select %and3A_68, %add3A_69, %rem3A_60 : i32
      %mul3A_71 = arith.constant 400 : i32
      %mul3A_72 = arith.muli %select_n3A_70, %mul3A_71 : i32
      %jit3A_73 = arith.constant 2 : i32
      %eq3A_74 = arith.constant 0 : i32
      %eq3A_75 = arith.cmpi eq, %jit3A_73, %eq3A_74 : i32
      %jit3A_76 = arith.constant 1 : i32
      %select_n3A_77 = arith.select %eq3A_75, %jit3A_76, %jit3A_73 : i32
      %rem3A_78 = arith.remsi %while3A_33, %select_n3A_77 : i32
      %ne3A_79 = arith.constant 0 : i32
      %ne3A_80 = arith.cmpi ne, %rem3A_78, %ne3A_79 : i32
      %lt3A_81 = arith.constant 0 : i32
      %lt3A_82 = arith.cmpi slt, %rem3A_78, %lt3A_81 : i32
      %lt3A_83 = arith.constant 0 : i32
      %lt3A_84 = arith.cmpi slt, %select_n3A_77, %lt3A_83 : i32
      %ne3A_85 = arith.xori %lt3A_82, %lt3A_84 : i1
      %and3A_86 = arith.andi %ne3A_85, %ne3A_80 : i1
      %add3A_87 = arith.addi %rem3A_78, %select_n3A_77 : i32
      %select_n3A_88 = arith.select %and3A_86, %add3A_87, %rem3A_78 : i32
      %eq3A_89 = arith.constant 0 : i32
      %eq3A_90 = arith.cmpi eq, %select_n3A_88, %eq3A_89 : i32
      %convert_element_type3A = arith.extui %eq3A_90 : i1 to i32
      %cond3A = arith.constant 0 : i32
      %cond3A_91 = arith.cmpi ne, %convert_element_type3A, %cond3A : i32
      scf.if %cond3A_91 {
        %ge3A = arith.constant 2 : i32
        %ge3A_114 = arith.cmpi sge, %while3A_33, %ge3A : i32
        %convert_element_type3A_115 = arith.extui %ge3A_114 : i1 to i32
        %cond3A_116 = arith.constant 0 : i32
        %cond3A_117 = arith.cmpi ne, %convert_element_type3A_115, %cond3A_116 : i32
        scf.if %cond3A_117 {
          %sub3A_135 = arith.constant 2 : i32
          %sub3A_136 = arith.subi %while3A_33, %sub3A_135 : i32
          %mul3A_137 = arith.constant 32 : i32
          %mul3A_138 = arith.muli %mul3A_137, %sub3A_136 : i32
          %add3A_139 = arith.addi %add3A, %mul3A_138 : i32
          %jit3A_140 = arith.constant 250 : i32
          %div3A_141 = arith.divsi %add3A_139, %jit3A_140 : i32
          %sign3A_142 = arith.constant 0 : i32
          %sign3A_143 = arith.cmpi sgt, %add3A_139, %sign3A_142 : i32
          %sign3A_144 = arith.extui %sign3A_143 : i1 to i32
          %sign3A_145 = arith.constant 0 : i32
          %sign3A_146 = arith.cmpi slt, %add3A_139, %sign3A_145 : i32
          %sign3A_147 = arith.extui %sign3A_146 : i1 to i32
          %sign3A_148 = arith.subi %sign3A_144, %sign3A_147 : i32
          %sign3A_149 = arith.constant 0 : i32
          %sign3A_150 = arith.cmpi sgt, %jit3A_140, %sign3A_149 : i32
          %sign3A_151 = arith.extui %sign3A_150 : i1 to i32
          %sign3A_152 = arith.constant 0 : i32
          %sign3A_153 = arith.cmpi slt, %jit3A_140, %sign3A_152 : i32
          %sign3A_154 = arith.extui %sign3A_153 : i1 to i32
          %sign3A_155 = arith.subi %sign3A_151, %sign3A_154 : i32
          %ne3A_156 = arith.cmpi ne, %sign3A_148, %sign3A_155 : i32
          %rem3A_157 = arith.remsi %add3A_139, %jit3A_140 : i32
          %ne3A_158 = arith.constant 0 : i32
          %ne3A_159 = arith.cmpi ne, %rem3A_157, %ne3A_158 : i32
          %and3A_160 = arith.andi %ne3A_156, %ne3A_159 : i1
          %sub3A_161 = arith.constant 1 : i32
          %sub3A_162 = arith.subi %div3A_141, %sub3A_161 : i32
          %select_n3A_163 = arith.select %and3A_160, %sub3A_162, %div3A_141 : i32
          %jit3A_164 = arith.constant 250 : i32
          %eq3A_165 = arith.constant 0 : i32
          %eq3A_166 = arith.cmpi eq, %jit3A_164, %eq3A_165 : i32
          %jit3A_167 = arith.constant 1 : i32
          %select_n3A_168 = arith.select %eq3A_166, %jit3A_167, %jit3A_164 : i32
          %rem3A_169 = arith.remsi %add3A_139, %select_n3A_168 : i32
          %ne3A_170 = arith.constant 0 : i32
          %ne3A_171 = arith.cmpi ne, %rem3A_169, %ne3A_170 : i32
          %lt3A_172 = arith.constant 0 : i32
          %lt3A_173 = arith.cmpi slt, %rem3A_169, %lt3A_172 : i32
          %lt3A_174 = arith.constant 0 : i32
          %lt3A_175 = arith.cmpi slt, %select_n3A_168, %lt3A_174 : i32
          %ne3A_176 = arith.xori %lt3A_173, %lt3A_175 : i1
          %and3A_177 = arith.andi %ne3A_176, %ne3A_171 : i1
          %add3A_178 = arith.addi %rem3A_169, %select_n3A_168 : i32
          %select_n3A_179 = arith.select %and3A_177, %add3A_178, %rem3A_169 : i32
          %mul3A_180 = arith.constant 400 : i32
          %mul3A_181 = arith.muli %select_n3A_179, %mul3A_180 : i32
          %dma_wait3A_182 = arith.constant 0 : i32
          %dma_wait3A_183 = tpu.memref_slice %arg3[%select_n3A_163, %mul3A_181, %dma_wait3A_182] : memref<4x100000x128xf32, #tpu.memory_space<hbm>> -> memref<1x400x128xf32, #tpu.memory_space<hbm>>
          %dma_wait3A_184 = tpu.memref_squeeze %dma_wait3A_183 : memref<1x400x128xf32, #tpu.memory_space<hbm>> -> memref<400x128xf32, #tpu.memory_space<hbm>>
          %dma_wait3A_185 = arith.constant 0 : i32
          %dma_wait3A_186 = tpu.memref_slice %arg3[%select_n3A_163, %mul3A_181, %dma_wait3A_185] : memref<4x100000x128xf32, #tpu.memory_space<hbm>> -> memref<1x400x128xf32, #tpu.memory_space<hbm>>
          %dma_wait3A_187 = tpu.memref_squeeze %dma_wait3A_186 : memref<1x400x128xf32, #tpu.memory_space<hbm>> -> memref<400x128xf32, #tpu.memory_space<hbm>>
          tpu.wait_dma2 semaphore(%arg7 : memref<!tpu.dma_semaphore, #tpu.memory_space<semaphore_mem>>) src(%arg4 : memref<400x128xf32, #tpu.memory_space<vmem>>) dst(%dma_wait3A_187 : memref<400x128xf32, #tpu.memory_space<hbm>>)
        } else {
        }
        %dma_start3A = arith.constant 0 : i32
        %dma_start3A_118 = tpu.memref_slice %arg2[%select_n3A_55, %mul3A_72, %dma_start3A] : memref<4x100000x128xf32, #tpu.memory_space<hbm>> -> memref<1x400x128xf32, #tpu.memory_space<hbm>>
        %dma_start3A_119 = tpu.memref_squeeze %dma_start3A_118 : memref<1x400x128xf32, #tpu.memory_space<hbm>> -> memref<400x128xf32, #tpu.memory_space<hbm>>
        %dma_start3A_120 = arith.constant 0 : i32
        %dma_start3A_121 = tpu.memref_slice %arg2[%select_n3A_55, %mul3A_72, %dma_start3A_120] : memref<4x100000x128xf32, #tpu.memory_space<hbm>> -> memref<1x400x128xf32, #tpu.memory_space<hbm>>
        %dma_start3A_122 = tpu.memref_squeeze %dma_start3A_121 : memref<1x400x128xf32, #tpu.memory_space<hbm>> -> memref<400x128xf32, #tpu.memory_space<hbm>>
        tpu.enqueue_dma source(%dma_start3A_122 : memref<400x128xf32, #tpu.memory_space<hbm>>) target(%arg4 : memref<400x128xf32, #tpu.memory_space<vmem>>) target_semaphore(%arg6 : memref<!tpu.dma_semaphore, #tpu.memory_space<semaphore_mem>>)
        %dma_wait3A_123 = arith.constant 0 : i32
        %dma_wait3A_124 = tpu.memref_slice %arg2[%select_n3A_55, %mul3A_72, %dma_wait3A_123] : memref<4x100000x128xf32, #tpu.memory_space<hbm>> -> memref<1x400x128xf32, #tpu.memory_space<hbm>>
        %dma_wait3A_125 = tpu.memref_squeeze %dma_wait3A_124 : memref<1x400x128xf32, #tpu.memory_space<hbm>> -> memref<400x128xf32, #tpu.memory_space<hbm>>
        %dma_wait3A_126 = arith.constant 0 : i32
        %dma_wait3A_127 = tpu.memref_slice %arg2[%select_n3A_55, %mul3A_72, %dma_wait3A_126] : memref<4x100000x128xf32, #tpu.memory_space<hbm>> -> memref<1x400x128xf32, #tpu.memory_space<hbm>>
        %dma_wait3A_128 = tpu.memref_squeeze %dma_wait3A_127 : memref<1x400x128xf32, #tpu.memory_space<hbm>> -> memref<400x128xf32, #tpu.memory_space<hbm>>
        tpu.wait_dma2 semaphore(%arg6 : memref<!tpu.dma_semaphore, #tpu.memory_space<semaphore_mem>>) src(%dma_wait3A_128 : memref<400x128xf32, #tpu.memory_space<hbm>>) dst(%arg4 : memref<400x128xf32, #tpu.memory_space<vmem>>)
        %dma_start3A_129 = arith.constant 0 : i32
        %dma_start3A_130 = tpu.memref_slice %arg3[%select_n3A_55, %mul3A_72, %dma_start3A_129] : memref<4x100000x128xf32, #tpu.memory_space<hbm>> -> memref<1x400x128xf32, #tpu.memory_space<hbm>>
        %dma_start3A_131 = tpu.memref_squeeze %dma_start3A_130 : memref<1x400x128xf32, #tpu.memory_space<hbm>> -> memref<400x128xf32, #tpu.memory_space<hbm>>
        %dma_start3A_132 = arith.constant 0 : i32
        %dma_start3A_133 = tpu.memref_slice %arg3[%select_n3A_55, %mul3A_72, %dma_start3A_132] : memref<4x100000x128xf32, #tpu.memory_space<hbm>> -> memref<1x400x128xf32, #tpu.memory_space<hbm>>
        %dma_start3A_134 = tpu.memref_squeeze %dma_start3A_133 : memref<1x400x128xf32, #tpu.memory_space<hbm>> -> memref<400x128xf32, #tpu.memory_space<hbm>>
        tpu.enqueue_dma source(%arg4 : memref<400x128xf32, #tpu.memory_space<vmem>>) target(%dma_start3A_134 : memref<400x128xf32, #tpu.memory_space<hbm>>) target_semaphore(%arg7 : memref<!tpu.dma_semaphore, #tpu.memory_space<semaphore_mem>>)
      } else {
      }
      %jit3A_92 = arith.constant 2 : i32
      %eq3A_93 = arith.constant 0 : i32
      %eq3A_94 = arith.cmpi eq, %jit3A_92, %eq3A_93 : i32
      %jit3A_95 = arith.constant 1 : i32
      %select_n3A_96 = arith.select %eq3A_94, %jit3A_95, %jit3A_92 : i32
      %rem3A_97 = arith.remsi %while3A_33, %select_n3A_96 : i32
      %ne3A_98 = arith.constant 0 : i32
      %ne3A_99 = arith.cmpi ne, %rem3A_97, %ne3A_98 : i32
      %lt3A_100 = arith.constant 0 : i32
      %lt3A_101 = arith.cmpi slt, %rem3A_97, %lt3A_100 : i32
      %lt3A_102 = arith.constant 0 : i32
      %lt3A_103 = arith.cmpi slt, %select_n3A_96, %lt3A_102 : i32
      %ne3A_104 = arith.xori %lt3A_101, %lt3A_103 : i1
      %and3A_105 = arith.andi %ne3A_104, %ne3A_99 : i1
      %add3A_106 = arith.addi %rem3A_97, %select_n3A_96 : i32
      %select_n3A_107 = arith.select %and3A_105, %add3A_106, %rem3A_97 : i32
      %eq3A_108 = arith.constant 1 : i32
      %eq3A_109 = arith.cmpi eq, %select_n3A_107, %eq3A_108 : i32
      %convert_element_type3A_110 = arith.extui %eq3A_109 : i1 to i32
      %cond3A_111 = arith.constant 0 : i32
      %cond3A_112 = arith.cmpi ne, %convert_element_type3A_110, %cond3A_111 : i32
      scf.if %cond3A_112 {
        %ge3A = arith.constant 2 : i32
        %ge3A_114 = arith.cmpi sge, %while3A_33, %ge3A : i32
        %convert_element_type3A_115 = arith.extui %ge3A_114 : i1 to i32
        %cond3A_116 = arith.constant 0 : i32
        %cond3A_117 = arith.cmpi ne, %convert_element_type3A_115, %cond3A_116 : i32
        scf.if %cond3A_117 {
          %sub3A_135 = arith.constant 2 : i32
          %sub3A_136 = arith.subi %while3A_33, %sub3A_135 : i32
          %mul3A_137 = arith.constant 32 : i32
          %mul3A_138 = arith.muli %mul3A_137, %sub3A_136 : i32
          %add3A_139 = arith.addi %add3A, %mul3A_138 : i32
          %jit3A_140 = arith.constant 250 : i32
          %div3A_141 = arith.divsi %add3A_139, %jit3A_140 : i32
          %sign3A_142 = arith.constant 0 : i32
          %sign3A_143 = arith.cmpi sgt, %add3A_139, %sign3A_142 : i32
          %sign3A_144 = arith.extui %sign3A_143 : i1 to i32
          %sign3A_145 = arith.constant 0 : i32
          %sign3A_146 = arith.cmpi slt, %add3A_139, %sign3A_145 : i32
          %sign3A_147 = arith.extui %sign3A_146 : i1 to i32
          %sign3A_148 = arith.subi %sign3A_144, %sign3A_147 : i32
          %sign3A_149 = arith.constant 0 : i32
          %sign3A_150 = arith.cmpi sgt, %jit3A_140, %sign3A_149 : i32
          %sign3A_151 = arith.extui %sign3A_150 : i1 to i32
          %sign3A_152 = arith.constant 0 : i32
          %sign3A_153 = arith.cmpi slt, %jit3A_140, %sign3A_152 : i32
          %sign3A_154 = arith.extui %sign3A_153 : i1 to i32
          %sign3A_155 = arith.subi %sign3A_151, %sign3A_154 : i32
          %ne3A_156 = arith.cmpi ne, %sign3A_148, %sign3A_155 : i32
          %rem3A_157 = arith.remsi %add3A_139, %jit3A_140 : i32
          %ne3A_158 = arith.constant 0 : i32
          %ne3A_159 = arith.cmpi ne, %rem3A_157, %ne3A_158 : i32
          %and3A_160 = arith.andi %ne3A_156, %ne3A_159 : i1
          %sub3A_161 = arith.constant 1 : i32
          %sub3A_162 = arith.subi %div3A_141, %sub3A_161 : i32
          %select_n3A_163 = arith.select %and3A_160, %sub3A_162, %div3A_141 : i32
          %jit3A_164 = arith.constant 250 : i32
          %eq3A_165 = arith.constant 0 : i32
          %eq3A_166 = arith.cmpi eq, %jit3A_164, %eq3A_165 : i32
          %jit3A_167 = arith.constant 1 : i32
          %select_n3A_168 = arith.select %eq3A_166, %jit3A_167, %jit3A_164 : i32
          %rem3A_169 = arith.remsi %add3A_139, %select_n3A_168 : i32
          %ne3A_170 = arith.constant 0 : i32
          %ne3A_171 = arith.cmpi ne, %rem3A_169, %ne3A_170 : i32
          %lt3A_172 = arith.constant 0 : i32
          %lt3A_173 = arith.cmpi slt, %rem3A_169, %lt3A_172 : i32
          %lt3A_174 = arith.constant 0 : i32
          %lt3A_175 = arith.cmpi slt, %select_n3A_168, %lt3A_174 : i32
          %ne3A_176 = arith.xori %lt3A_173, %lt3A_175 : i1
          %and3A_177 = arith.andi %ne3A_176, %ne3A_171 : i1
          %add3A_178 = arith.addi %rem3A_169, %select_n3A_168 : i32
          %select_n3A_179 = arith.select %and3A_177, %add3A_178, %rem3A_169 : i32
          %mul3A_180 = arith.constant 400 : i32
          %mul3A_181 = arith.muli %select_n3A_179, %mul3A_180 : i32
          %dma_wait3A_182 = arith.constant 0 : i32
          %dma_wait3A_183 = tpu.memref_slice %arg3[%select_n3A_163, %mul3A_181, %dma_wait3A_182] : memref<4x100000x128xf32, #tpu.memory_space<hbm>> -> memref<1x400x128xf32, #tpu.memory_space<hbm>>
          %dma_wait3A_184 = tpu.memref_squeeze %dma_wait3A_183 : memref<1x400x128xf32, #tpu.memory_space<hbm>> -> memref<400x128xf32, #tpu.memory_space<hbm>>
          %dma_wait3A_185 = arith.constant 0 : i32
          %dma_wait3A_186 = tpu.memref_slice %arg3[%select_n3A_163, %mul3A_181, %dma_wait3A_185] : memref<4x100000x128xf32, #tpu.memory_space<hbm>> -> memref<1x400x128xf32, #tpu.memory_space<hbm>>
          %dma_wait3A_187 = tpu.memref_squeeze %dma_wait3A_186 : memref<1x400x128xf32, #tpu.memory_space<hbm>> -> memref<400x128xf32, #tpu.memory_space<hbm>>
          tpu.wait_dma2 semaphore(%arg7 : memref<!tpu.dma_semaphore, #tpu.memory_space<semaphore_mem>>) src(%arg5 : memref<400x128xf32, #tpu.memory_space<vmem>>) dst(%dma_wait3A_187 : memref<400x128xf32, #tpu.memory_space<hbm>>)
        } else {
        }
        %dma_start3A = arith.constant 0 : i32
        %dma_start3A_118 = tpu.memref_slice %arg2[%select_n3A_55, %mul3A_72, %dma_start3A] : memref<4x100000x128xf32, #tpu.memory_space<hbm>> -> memref<1x400x128xf32, #tpu.memory_space<hbm>>
        %dma_start3A_119 = tpu.memref_squeeze %dma_start3A_118 : memref<1x400x128xf32, #tpu.memory_space<hbm>> -> memref<400x128xf32, #tpu.memory_space<hbm>>
        %dma_start3A_120 = arith.constant 0 : i32
        %dma_start3A_121 = tpu.memref_slice %arg2[%select_n3A_55, %mul3A_72, %dma_start3A_120] : memref<4x100000x128xf32, #tpu.memory_space<hbm>> -> memref<1x400x128xf32, #tpu.memory_space<hbm>>
        %dma_start3A_122 = tpu.memref_squeeze %dma_start3A_121 : memref<1x400x128xf32, #tpu.memory_space<hbm>> -> memref<400x128xf32, #tpu.memory_space<hbm>>
        tpu.enqueue_dma source(%dma_start3A_122 : memref<400x128xf32, #tpu.memory_space<hbm>>) target(%arg5 : memref<400x128xf32, #tpu.memory_space<vmem>>) target_semaphore(%arg6 : memref<!tpu.dma_semaphore, #tpu.memory_space<semaphore_mem>>)
        %dma_wait3A_123 = arith.constant 0 : i32
        %dma_wait3A_124 = tpu.memref_slice %arg2[%select_n3A_55, %mul3A_72, %dma_wait3A_123] : memref<4x100000x128xf32, #tpu.memory_space<hbm>> -> memref<1x400x128xf32, #tpu.memory_space<hbm>>
        %dma_wait3A_125 = tpu.memref_squeeze %dma_wait3A_124 : memref<1x400x128xf32, #tpu.memory_space<hbm>> -> memref<400x128xf32, #tpu.memory_space<hbm>>
        %dma_wait3A_126 = arith.constant 0 : i32
        %dma_wait3A_127 = tpu.memref_slice %arg2[%select_n3A_55, %mul3A_72, %dma_wait3A_126] : memref<4x100000x128xf32, #tpu.memory_space<hbm>> -> memref<1x400x128xf32, #tpu.memory_space<hbm>>
        %dma_wait3A_128 = tpu.memref_squeeze %dma_wait3A_127 : memref<1x400x128xf32, #tpu.memory_space<hbm>> -> memref<400x128xf32, #tpu.memory_space<hbm>>
        tpu.wait_dma2 semaphore(%arg6 : memref<!tpu.dma_semaphore, #tpu.memory_space<semaphore_mem>>) src(%dma_wait3A_128 : memref<400x128xf32, #tpu.memory_space<hbm>>) dst(%arg5 : memref<400x128xf32, #tpu.memory_space<vmem>>)
        %dma_start3A_129 = arith.constant 0 : i32
        %dma_start3A_130 = tpu.memref_slice %arg3[%select_n3A_55, %mul3A_72, %dma_start3A_129] : memref<4x100000x128xf32, #tpu.memory_space<hbm>> -> memref<1x400x128xf32, #tpu.memory_space<hbm>>
        %dma_start3A_131 = tpu.memref_squeeze %dma_start3A_130 : memref<1x400x128xf32, #tpu.memory_space<hbm>> -> memref<400x128xf32, #tpu.memory_space<hbm>>
        %dma_start3A_132 = arith.constant 0 : i32
        %dma_start3A_133 = tpu.memref_slice %arg3[%select_n3A_55, %mul3A_72, %dma_start3A_132] : memref<4x100000x128xf32, #tpu.memory_space<hbm>> -> memref<1x400x128xf32, #tpu.memory_space<hbm>>
        %dma_start3A_134 = tpu.memref_squeeze %dma_start3A_133 : memref<1x400x128xf32, #tpu.memory_space<hbm>> -> memref<400x128xf32, #tpu.memory_space<hbm>>
        tpu.enqueue_dma source(%arg5 : memref<400x128xf32, #tpu.memory_space<vmem>>) target(%dma_start3A_134 : memref<400x128xf32, #tpu.memory_space<hbm>>) target_semaphore(%arg7 : memref<!tpu.dma_semaphore, #tpu.memory_space<semaphore_mem>>)
      } else {
      }
      %while3A_113 = arith.constant 0 : i32
      scf.yield %while3A_113 : i32
    }
    %dma_wait3A = arith.constant 0 : i32
    %dma_wait3A_16 = arith.constant 0 : i32
    %dma_wait3A_17 = arith.constant 0 : i32
    %dma_wait3A_18 = tpu.memref_slice %arg3[%dma_wait3A, %dma_wait3A_16, %dma_wait3A_17] : memref<4x100000x128xf32, #tpu.memory_space<hbm>> -> memref<1x400x128xf32, #tpu.memory_space<hbm>>
    %dma_wait3A_19 = tpu.memref_squeeze %dma_wait3A_18 : memref<1x400x128xf32, #tpu.memory_space<hbm>> -> memref<400x128xf32, #tpu.memory_space<hbm>>
    %dma_wait3A_20 = arith.constant 0 : i32
    %dma_wait3A_21 = arith.constant 0 : i32
    %dma_wait3A_22 = tpu.memref_slice %arg3[%dma_wait3A, %dma_wait3A_20, %dma_wait3A_21] : memref<4x100000x128xf32, #tpu.memory_space<hbm>> -> memref<1x400x128xf32, #tpu.memory_space<hbm>>
    %dma_wait3A_23 = tpu.memref_squeeze %dma_wait3A_22 : memref<1x400x128xf32, #tpu.memory_space<hbm>> -> memref<400x128xf32, #tpu.memory_space<hbm>>
    tpu.wait_dma2 semaphore(%arg7 : memref<!tpu.dma_semaphore, #tpu.memory_space<semaphore_mem>>) src(%arg4 : memref<400x128xf32, #tpu.memory_space<vmem>>) dst(%dma_wait3A_23 : memref<400x128xf32, #tpu.memory_space<hbm>>)
    %dma_wait3A_24 = arith.constant 0 : i32
    %dma_wait3A_25 = arith.constant 0 : i32
    %dma_wait3A_26 = arith.constant 0 : i32
    %dma_wait3A_27 = tpu.memref_slice %arg3[%dma_wait3A_24, %dma_wait3A_25, %dma_wait3A_26] : memref<4x100000x128xf32, #tpu.memory_space<hbm>> -> memref<1x400x128xf32, #tpu.memory_space<hbm>>
    %dma_wait3A_28 = tpu.memref_squeeze %dma_wait3A_27 : memref<1x400x128xf32, #tpu.memory_space<hbm>> -> memref<400x128xf32, #tpu.memory_space<hbm>>
    %dma_wait3A_29 = arith.constant 0 : i32
    %dma_wait3A_30 = arith.constant 0 : i32
    %dma_wait3A_31 = tpu.memref_slice %arg3[%dma_wait3A_24, %dma_wait3A_29, %dma_wait3A_30] : memref<4x100000x128xf32, #tpu.memory_space<hbm>> -> memref<1x400x128xf32, #tpu.memory_space<hbm>>
    %dma_wait3A_32 = tpu.memref_squeeze %dma_wait3A_31 : memref<1x400x128xf32, #tpu.memory_space<hbm>> -> memref<400x128xf32, #tpu.memory_space<hbm>>
    tpu.wait_dma2 semaphore(%arg7 : memref<!tpu.dma_semaphore, #tpu.memory_space<semaphore_mem>>) src(%arg5 : memref<400x128xf32, #tpu.memory_space<vmem>>) dst(%dma_wait3A_32 : memref<400x128xf32, #tpu.memory_space<hbm>>)
    return
  }
}

#map = affine_map<(d0, d1) -> (0, 0, 0)>
#map1 = affine_map<(d0, d1) -> (0)>
#map2 = affine_map<(d0, d1) -> (0, 0)>
module attributes {stable_mosaic.version = 14 : i64} {
  func.func @new_body(%arg0: i32, %arg1: i32, %arg2: memref<4x100000x128xf32, #tpu.memory_space<hbm>>, %arg3: memref<1024xi32, #tpu.memory_space<hbm>>, %arg4: memref<1024x128xf32, #tpu.memory_space<hbm>>, %arg5: memref<4x100000x128xf32, #tpu.memory_space<hbm>>, %arg6: memref<32xi32, #tpu.memory_space<vmem>>, %arg7: memref<32x128xf32, #tpu.memory_space<vmem>>, %arg8: memref<!tpu.dma_semaphore, #tpu.memory_space<semaphore_mem>>) attributes {dimension_semantics = [#tpu.dimension_semantics<core_parallel>, #tpu.dimension_semantics<subcore_parallel>], iteration_bounds = array<i64: 2, 16>, scalar_prefetch = 0 : i64, scratch_operands = 3 : i64, tpu.core_type = #tpu.core_type<sc_vector_subcore>, window_params = [{transform_indices = #map}, {transform_indices = #map1}, {transform_indices = #map2}, {transform_indices = #map}]} {
    %mul3A = arith.constant 2 : i32
    %mul3A_0 = arith.muli %arg1, %mul3A : i32
    %add3A = arith.addi %mul3A_0, %arg0 : i32
    %mul3A_1 = arith.constant 32 : i32
    %mul3A_2 = arith.muli %add3A, %mul3A_1 : i32
    "tpu.region"() ({
      %run_scoped3A = tpu.sem_alloc : memref<!tpu.dma_semaphore, #tpu.memory_space<semaphore_mem>>
      %dma_start3A_17 = tpu.memref_slice %arg3[%mul3A_2] : memref<1024xi32, #tpu.memory_space<hbm>> -> memref<32xi32, #tpu.memory_space<hbm>>
      %dma_start3A_18 = tpu.memref_slice %arg3[%mul3A_2] : memref<1024xi32, #tpu.memory_space<hbm>> -> memref<32xi32, #tpu.memory_space<hbm>>
      tpu.enqueue_dma source(%dma_start3A_18 : memref<32xi32, #tpu.memory_space<hbm>>) target(%arg6 : memref<32xi32, #tpu.memory_space<vmem>>) target_semaphore(%run_scoped3A : memref<!tpu.dma_semaphore, #tpu.memory_space<semaphore_mem>>)
      %dma_wait3A_19 = tpu.memref_slice %arg3[%mul3A_2] : memref<1024xi32, #tpu.memory_space<hbm>> -> memref<32xi32, #tpu.memory_space<hbm>>
      %dma_wait3A_20 = tpu.memref_slice %arg3[%mul3A_2] : memref<1024xi32, #tpu.memory_space<hbm>> -> memref<32xi32, #tpu.memory_space<hbm>>
      tpu.wait_dma2 semaphore(%run_scoped3A : memref<!tpu.dma_semaphore, #tpu.memory_space<semaphore_mem>>) src(%dma_wait3A_20 : memref<32xi32, #tpu.memory_space<hbm>>) dst(%arg6 : memref<32xi32, #tpu.memory_space<vmem>>)
      tpu.yield
    }) : () -> ()
    "tpu.region"() ({
      %run_scoped3A = tpu.sem_alloc : memref<!tpu.dma_semaphore, #tpu.memory_space<semaphore_mem>>
      %dma_start3A_17 = arith.constant 0 : i32
      %dma_start3A_18 = tpu.memref_slice %arg4[%mul3A_2, %dma_start3A_17] : memref<1024x128xf32, #tpu.memory_space<hbm>> -> memref<32x128xf32, #tpu.memory_space<hbm>>
      %dma_start3A_19 = arith.constant 0 : i32
      %dma_start3A_20 = tpu.memref_slice %arg4[%mul3A_2, %dma_start3A_19] : memref<1024x128xf32, #tpu.memory_space<hbm>> -> memref<32x128xf32, #tpu.memory_space<hbm>>
      tpu.enqueue_dma source(%dma_start3A_20 : memref<32x128xf32, #tpu.memory_space<hbm>>) target(%arg7 : memref<32x128xf32, #tpu.memory_space<vmem>>) target_semaphore(%run_scoped3A : memref<!tpu.dma_semaphore, #tpu.memory_space<semaphore_mem>>)
      %dma_wait3A_21 = arith.constant 0 : i32
      %dma_wait3A_22 = tpu.memref_slice %arg4[%mul3A_2, %dma_wait3A_21] : memref<1024x128xf32, #tpu.memory_space<hbm>> -> memref<32x128xf32, #tpu.memory_space<hbm>>
      %dma_wait3A_23 = arith.constant 0 : i32
      %dma_wait3A_24 = tpu.memref_slice %arg4[%mul3A_2, %dma_wait3A_23] : memref<1024x128xf32, #tpu.memory_space<hbm>> -> memref<32x128xf32, #tpu.memory_space<hbm>>
      tpu.wait_dma2 semaphore(%run_scoped3A : memref<!tpu.dma_semaphore, #tpu.memory_space<semaphore_mem>>) src(%dma_wait3A_24 : memref<32x128xf32, #tpu.memory_space<hbm>>) dst(%arg7 : memref<32x128xf32, #tpu.memory_space<vmem>>)
      tpu.yield
    }) : () -> ()
    %dma_start3A = arith.constant 3 : i32
    %dma_start3A_3 = arith.constant 0 : i32
    %dma_start3A_4 = arith.constant 0 : i32
    %dma_start3A_5 = tpu.memref_slice %arg2[%dma_start3A, %dma_start3A_3, %dma_start3A_4] : memref<4x100000x128xf32, #tpu.memory_space<hbm>> -> memref<1x100000x128xf32, #tpu.memory_space<hbm>>
    %dma_start3A_6 = tpu.memref_squeeze %dma_start3A_5 : memref<1x100000x128xf32, #tpu.memory_space<hbm>> -> memref<100000x128xf32, #tpu.memory_space<hbm>>
    %dma_start3A_7 = arith.constant 0 : i32
    %dma_start3A_8 = arith.constant 0 : i32
    %dma_start3A_9 = tpu.memref_slice %dma_start3A_6[%dma_start3A_7, %dma_start3A_8] : memref<100000x128xf32, #tpu.memory_space<hbm>> -> memref<100000x128xf32, #tpu.memory_space<hbm>>
    tpu.enqueue_indirect_dma source(%arg7 : memref<32x128xf32, #tpu.memory_space<vmem>>) target(%dma_start3A_9 : memref<100000x128xf32, #tpu.memory_space<hbm>>) offsets(%arg6 : memref<32xi32, #tpu.memory_space<vmem>>) semaphore(%arg8 : memref<!tpu.dma_semaphore, #tpu.memory_space<semaphore_mem>>)
    %dma_wait3A = arith.constant 3 : i32
    %dma_wait3A_10 = arith.constant 0 : i32
    %dma_wait3A_11 = arith.constant 0 : i32
    %dma_wait3A_12 = tpu.memref_slice %arg2[%dma_wait3A, %dma_wait3A_10, %dma_wait3A_11] : memref<4x100000x128xf32, #tpu.memory_space<hbm>> -> memref<1x100000x128xf32, #tpu.memory_space<hbm>>
    %dma_wait3A_13 = tpu.memref_squeeze %dma_wait3A_12 : memref<1x100000x128xf32, #tpu.memory_space<hbm>> -> memref<100000x128xf32, #tpu.memory_space<hbm>>
    %dma_wait3A_14 = arith.constant 0 : i32
    %dma_wait3A_15 = arith.constant 0 : i32
    %dma_wait3A_16 = tpu.memref_slice %dma_wait3A_13[%dma_wait3A_14, %dma_wait3A_15] : memref<100000x128xf32, #tpu.memory_space<hbm>> -> memref<100000x128xf32, #tpu.memory_space<hbm>>
    tpu.wait_indirect_dma semaphore(%arg8 : memref<!tpu.dma_semaphore, #tpu.memory_space<semaphore_mem>>) src(%arg7 : memref<32x128xf32, #tpu.memory_space<vmem>>) dst(%dma_wait3A_16 : memref<100000x128xf32, #tpu.memory_space<hbm>>)
    return
  }
}

module attributes {stable_mosaic.version = 14 : i64} {
  func.func @_copy_body(%arg0: i32, %arg1: i32, %arg2: memref<1x10000x100xf32, #tpu.memory_space<vmem>>, %arg3: memref<1x10000x100xf32, #tpu.memory_space<vmem>>) attributes {dimension_semantics = [#tpu.dimension_semantics<arbitrary>, #tpu.dimension_semantics<arbitrary>], iteration_bounds = array<i64: 4, 10>, scalar_prefetch = 0 : i64, scratch_operands = 0 : i64, tpu.core_type = #tpu.core_type<tc>, window_params = [{transform_indices = @transform_0, window_bounds = array<i64: 1, 10000, 100>}, {transform_indices = @transform_1, window_bounds = array<i64: 1, 10000, 100>}]} {
    %get3A = arith.constant 0 : index
    %get3A_0 = arith.constant 0 : index
    %get3A_1 = arith.constant 0 : index
    %get3A_2 = vector.load %arg2[%get3A, %get3A_0, %get3A_1] : memref<1x10000x100xf32, #tpu.memory_space<vmem>>, vector<1x10000x100xf32>
    %swap3A = arith.constant 0 : index
    %swap3A_3 = arith.constant 0 : index
    %swap3A_4 = arith.constant 0 : index
    %swap3A_5 = vector.load %arg3[%swap3A, %swap3A_3, %swap3A_4] : memref<1x10000x100xf32, #tpu.memory_space<vmem>>, vector<1x10000x100xf32>
    tpu.vector_store %arg3[%swap3A, %swap3A_3, %swap3A_4], %get3A_2 {strides = array<i32>} : memref<1x10000x100xf32, #tpu.memory_space<vmem>>, vector<1x10000x100xf32>,
    return
  }
  func.func @transform_0(%arg0: i32, %arg1: i32) -> (i32, i32, i32) {
    %c0_i32 = arith.constant 0 : i32
    %c0_i32_0 = arith.constant 0 : i32
    return %arg0, %arg1, %c0_i32 : i32, i32, i32
  }
  func.func @transform_1(%arg0: i32, %arg1: i32) -> (i32, i32, i32) {
    %c0_i32 = arith.constant 0 : i32
    %c0_i32_0 = arith.constant 0 : i32
    return %arg0, %arg1, %c0_i32 : i32, i32, i32
  }
}

module attributes {stable_mosaic.version = 14 : i64} {
  func.func @_compute_body(%arg0: memref<1024xi32, #tpu.memory_space<smem>>, %arg1: memref<1024x1xi32, #tpu.memory_space<vmem>>, %arg2: memref<1x1024xi32, #tpu.memory_space<vmem>>, %arg3: memref<1024x1xi32, #tpu.memory_space<vmem>>, %arg4: memref<1024x128xf32, #tpu.memory_space<vmem>>, %arg5: memref<1024x100xf32, #tpu.memory_space<vmem>>, %arg6: memref<3072x128xf32, #tpu.memory_space<vmem>>, %arg7: memref<64x128xf32, #tpu.memory_space<vmem>>, %arg8: memref<1x64xf32, #tpu.memory_space<vmem>>, %arg9: memref<64x128xf32, #tpu.memory_space<vmem>>, %arg10: memref<64x1xf32, #tpu.memory_space<vmem>>, %arg11: memref<4x100000x100xf32, #tpu.memory_space<hbm>>, %arg12: memref<1x1xf32, #tpu.memory_space<vmem>>, %arg13: memref<1x1xf32, #tpu.memory_space<vmem>>, %arg14: memref<1024x100xf32, #tpu.memory_space<vmem>>, %arg15: memref<1024x128xf32, #tpu.memory_space<vmem>>, %arg16: memref<4x100000x100xf32, #tpu.memory_space<hbm>>, %arg17: memref<3072x100xf32, #tpu.memory_space<vmem>>, %arg18: memref<1024x100xf32, #tpu.memory_space<vmem>>, %arg19: memref<!tpu.dma_semaphore, #tpu.memory_space<semaphore_mem>>, %arg20: memref<!tpu.dma_semaphore, #tpu.memory_space<semaphore_mem>>) attributes {dimension_semantics = [], scalar_prefetch = 0 : i64, scratch_operands = 4 : i64, tpu.core_type = #tpu.core_type<tc>} {
    %get3A = arith.constant 0 : index
    %get3A_0 = arith.constant 0 : index
    %get3A_1 = vector.load %arg4[%get3A, %get3A_0] : memref<1024x128xf32, #tpu.memory_space<vmem>>, vector<1024x128xf32>
    %get3A_2 = arith.constant 0 : index
    %get3A_3 = arith.constant 0 : index
    %get3A_4 = vector.load %arg5[%get3A_2, %get3A_3] : memref<1024x100xf32, #tpu.memory_space<vmem>>, vector<1024x100xf32>
    %scan3A = arith.constant 0 : i32
    %scan3A_5 = arith.constant 1024 : i32
    %scan3A_6 = arith.addi %scan3A, %scan3A_5 : i32
    %scan3A_7 = arith.constant 8 : i32
    scf.for %scan3A_239 = %scan3A to %scan3A_6 step %scan3A_7  : i32 {
      %get3A_240 = arith.index_cast %scan3A_239 : i32 to index
      %get3A_241 = memref.load %arg0[%get3A_240] : memref<1024xi32, #tpu.memory_space<smem>>
      %add3A_242 = arith.constant 0 : i32
      %add3A_243 = arith.addi %add3A_242, %scan3A_239 : i32
      %dma_start3A = arith.constant 0 : i32
      %dma_start3A_244 = arith.constant 0 : i32
      %dma_start3A_245 = tpu.memref_slice %arg17[%add3A_243, %dma_start3A_244] : memref<3072x100xf32, #tpu.memory_space<vmem>> -> memref<1x100xf32, #tpu.memory_space<vmem>>
      %dma_start3A_246 = arith.constant 0 : i32
      %dma_start3A_247 = arith.constant 0 : i32
      %dma_start3A_248 = tpu.memref_slice %arg11[%dma_start3A, %dma_start3A_246, %dma_start3A_247] : memref<4x100000x100xf32, #tpu.memory_space<hbm>> -> memref<1x100000x100xf32, #tpu.memory_space<hbm>>
      %dma_start3A_249 = tpu.memref_squeeze %dma_start3A_248 : memref<1x100000x100xf32, #tpu.memory_space<hbm>> -> memref<100000x100xf32, #tpu.memory_space<hbm>>
      %dma_start3A_250 = arith.constant 0 : i32
      %dma_start3A_251 = tpu.memref_slice %dma_start3A_249[%get3A_241, %dma_start3A_250] : memref<100000x100xf32, #tpu.memory_space<hbm>> -> memref<1x100xf32, #tpu.memory_space<hbm>>
      tpu.enqueue_dma source(%dma_start3A_251 : memref<1x100xf32, #tpu.memory_space<hbm>>) target(%dma_start3A_245 : memref<1x100xf32, #tpu.memory_space<vmem>>) target_semaphore(%arg19 : memref<!tpu.dma_semaphore, #tpu.memory_space<semaphore_mem>>)
      %scan3A_252 = arith.constant 1 : i32
      %scan3A_253 = arith.addi %scan3A_239, %scan3A_252 : i32
      %get3A_254 = arith.index_cast %scan3A_253 : i32 to index
      %get3A_255 = memref.load %arg0[%get3A_254] : memref<1024xi32, #tpu.memory_space<smem>>
      %add3A_256 = arith.constant 0 : i32
      %add3A_257 = arith.addi %add3A_256, %scan3A_253 : i32
      %dma_start3A_258 = arith.constant 0 : i32
      %dma_start3A_259 = arith.constant 0 : i32
      %dma_start3A_260 = tpu.memref_slice %arg17[%add3A_257, %dma_start3A_259] : memref<3072x100xf32, #tpu.memory_space<vmem>> -> memref<1x100xf32, #tpu.memory_space<vmem>>
      %dma_start3A_261 = arith.constant 0 : i32
      %dma_start3A_262 = arith.constant 0 : i32
      %dma_start3A_263 = tpu.memref_slice %arg11[%dma_start3A_258, %dma_start3A_261, %dma_start3A_262] : memref<4x100000x100xf32, #tpu.memory_space<hbm>> -> memref<1x100000x100xf32, #tpu.memory_space<hbm>>
      %dma_start3A_264 = tpu.memref_squeeze %dma_start3A_263 : memref<1x100000x100xf32, #tpu.memory_space<hbm>> -> memref<100000x100xf32, #tpu.memory_space<hbm>>
      %dma_start3A_265 = arith.constant 0 : i32
      %dma_start3A_266 = tpu.memref_slice %dma_start3A_264[%get3A_255, %dma_start3A_265] : memref<100000x100xf32, #tpu.memory_space<hbm>> -> memref<1x100xf32, #tpu.memory_space<hbm>>
      tpu.enqueue_dma source(%dma_start3A_266 : memref<1x100xf32, #tpu.memory_space<hbm>>) target(%dma_start3A_260 : memref<1x100xf32, #tpu.memory_space<vmem>>) target_semaphore(%arg19 : memref<!tpu.dma_semaphore, #tpu.memory_space<semaphore_mem>>)
      %scan3A_267 = arith.constant 2 : i32
      %scan3A_268 = arith.addi %scan3A_239, %scan3A_267 : i32
      %get3A_269 = arith.index_cast %scan3A_268 : i32 to index
      %get3A_270 = memref.load %arg0[%get3A_269] : memref<1024xi32, #tpu.memory_space<smem>>
      %add3A_271 = arith.constant 0 : i32
      %add3A_272 = arith.addi %add3A_271, %scan3A_268 : i32
      %dma_start3A_273 = arith.constant 0 : i32
      %dma_start3A_274 = arith.constant 0 : i32
      %dma_start3A_275 = tpu.memref_slice %arg17[%add3A_272, %dma_start3A_274] : memref<3072x100xf32, #tpu.memory_space<vmem>> -> memref<1x100xf32, #tpu.memory_space<vmem>>
      %dma_start3A_276 = arith.constant 0 : i32
      %dma_start3A_277 = arith.constant 0 : i32
      %dma_start3A_278 = tpu.memref_slice %arg11[%dma_start3A_273, %dma_start3A_276, %dma_start3A_277] : memref<4x100000x100xf32, #tpu.memory_space<hbm>> -> memref<1x100000x100xf32, #tpu.memory_space<hbm>>
      %dma_start3A_279 = tpu.memref_squeeze %dma_start3A_278 : memref<1x100000x100xf32, #tpu.memory_space<hbm>> -> memref<100000x100xf32, #tpu.memory_space<hbm>>
      %dma_start3A_280 = arith.constant 0 : i32
      %dma_start3A_281 = tpu.memref_slice %dma_start3A_279[%get3A_270, %dma_start3A_280] : memref<100000x100xf32, #tpu.memory_space<hbm>> -> memref<1x100xf32, #tpu.memory_space<hbm>>
      tpu.enqueue_dma source(%dma_start3A_281 : memref<1x100xf32, #tpu.memory_space<hbm>>) target(%dma_start3A_275 : memref<1x100xf32, #tpu.memory_space<vmem>>) target_semaphore(%arg19 : memref<!tpu.dma_semaphore, #tpu.memory_space<semaphore_mem>>)
      %scan3A_282 = arith.constant 3 : i32
      %scan3A_283 = arith.addi %scan3A_239, %scan3A_282 : i32
      %get3A_284 = arith.index_cast %scan3A_283 : i32 to index
      %get3A_285 = memref.load %arg0[%get3A_284] : memref<1024xi32, #tpu.memory_space<smem>>
      %add3A_286 = arith.constant 0 : i32
      %add3A_287 = arith.addi %add3A_286, %scan3A_283 : i32
      %dma_start3A_288 = arith.constant 0 : i32
      %dma_start3A_289 = arith.constant 0 : i32
      %dma_start3A_290 = tpu.memref_slice %arg17[%add3A_287, %dma_start3A_289] : memref<3072x100xf32, #tpu.memory_space<vmem>> -> memref<1x100xf32, #tpu.memory_space<vmem>>
      %dma_start3A_291 = arith.constant 0 : i32
      %dma_start3A_292 = arith.constant 0 : i32
      %dma_start3A_293 = tpu.memref_slice %arg11[%dma_start3A_288, %dma_start3A_291, %dma_start3A_292] : memref<4x100000x100xf32, #tpu.memory_space<hbm>> -> memref<1x100000x100xf32, #tpu.memory_space<hbm>>
      %dma_start3A_294 = tpu.memref_squeeze %dma_start3A_293 : memref<1x100000x100xf32, #tpu.memory_space<hbm>> -> memref<100000x100xf32, #tpu.memory_space<hbm>>
      %dma_start3A_295 = arith.constant 0 : i32
      %dma_start3A_296 = tpu.memref_slice %dma_start3A_294[%get3A_285, %dma_start3A_295] : memref<100000x100xf32, #tpu.memory_space<hbm>> -> memref<1x100xf32, #tpu.memory_space<hbm>>
      tpu.enqueue_dma source(%dma_start3A_296 : memref<1x100xf32, #tpu.memory_space<hbm>>) target(%dma_start3A_290 : memref<1x100xf32, #tpu.memory_space<vmem>>) target_semaphore(%arg19 : memref<!tpu.dma_semaphore, #tpu.memory_space<semaphore_mem>>)
      %scan3A_297 = arith.constant 4 : i32
      %scan3A_298 = arith.addi %scan3A_239, %scan3A_297 : i32
      %get3A_299 = arith.index_cast %scan3A_298 : i32 to index
      %get3A_300 = memref.load %arg0[%get3A_299] : memref<1024xi32, #tpu.memory_space<smem>>
      %add3A_301 = arith.constant 0 : i32
      %add3A_302 = arith.addi %add3A_301, %scan3A_298 : i32
      %dma_start3A_303 = arith.constant 0 : i32
      %dma_start3A_304 = arith.constant 0 : i32
      %dma_start3A_305 = tpu.memref_slice %arg17[%add3A_302, %dma_start3A_304] : memref<3072x100xf32, #tpu.memory_space<vmem>> -> memref<1x100xf32, #tpu.memory_space<vmem>>
      %dma_start3A_306 = arith.constant 0 : i32
      %dma_start3A_307 = arith.constant 0 : i32
      %dma_start3A_308 = tpu.memref_slice %arg11[%dma_start3A_303, %dma_start3A_306, %dma_start3A_307] : memref<4x100000x100xf32, #tpu.memory_space<hbm>> -> memref<1x100000x100xf32, #tpu.memory_space<hbm>>
      %dma_start3A_309 = tpu.memref_squeeze %dma_start3A_308 : memref<1x100000x100xf32, #tpu.memory_space<hbm>> -> memref<100000x100xf32, #tpu.memory_space<hbm>>
      %dma_start3A_310 = arith.constant 0 : i32
      %dma_start3A_311 = tpu.memref_slice %dma_start3A_309[%get3A_300, %dma_start3A_310] : memref<100000x100xf32, #tpu.memory_space<hbm>> -> memref<1x100xf32, #tpu.memory_space<hbm>>
      tpu.enqueue_dma source(%dma_start3A_311 : memref<1x100xf32, #tpu.memory_space<hbm>>) target(%dma_start3A_305 : memref<1x100xf32, #tpu.memory_space<vmem>>) target_semaphore(%arg19 : memref<!tpu.dma_semaphore, #tpu.memory_space<semaphore_mem>>)
      %scan3A_312 = arith.constant 5 : i32
      %scan3A_313 = arith.addi %scan3A_239, %scan3A_312 : i32
      %get3A_314 = arith.index_cast %scan3A_313 : i32 to index
      %get3A_315 = memref.load %arg0[%get3A_314] : memref<1024xi32, #tpu.memory_space<smem>>
      %add3A_316 = arith.constant 0 : i32
      %add3A_317 = arith.addi %add3A_316, %scan3A_313 : i32
      %dma_start3A_318 = arith.constant 0 : i32
      %dma_start3A_319 = arith.constant 0 : i32
      %dma_start3A_320 = tpu.memref_slice %arg17[%add3A_317, %dma_start3A_319] : memref<3072x100xf32, #tpu.memory_space<vmem>> -> memref<1x100xf32, #tpu.memory_space<vmem>>
      %dma_start3A_321 = arith.constant 0 : i32
      %dma_start3A_322 = arith.constant 0 : i32
      %dma_start3A_323 = tpu.memref_slice %arg11[%dma_start3A_318, %dma_start3A_321, %dma_start3A_322] : memref<4x100000x100xf32, #tpu.memory_space<hbm>> -> memref<1x100000x100xf32, #tpu.memory_space<hbm>>
      %dma_start3A_324 = tpu.memref_squeeze %dma_start3A_323 : memref<1x100000x100xf32, #tpu.memory_space<hbm>> -> memref<100000x100xf32, #tpu.memory_space<hbm>>
      %dma_start3A_325 = arith.constant 0 : i32
      %dma_start3A_326 = tpu.memref_slice %dma_start3A_324[%get3A_315, %dma_start3A_325] : memref<100000x100xf32, #tpu.memory_space<hbm>> -> memref<1x100xf32, #tpu.memory_space<hbm>>
      tpu.enqueue_dma source(%dma_start3A_326 : memref<1x100xf32, #tpu.memory_space<hbm>>) target(%dma_start3A_320 : memref<1x100xf32, #tpu.memory_space<vmem>>) target_semaphore(%arg19 : memref<!tpu.dma_semaphore, #tpu.memory_space<semaphore_mem>>)
      %scan3A_327 = arith.constant 6 : i32
      %scan3A_328 = arith.addi %scan3A_239, %scan3A_327 : i32
      %get3A_329 = arith.index_cast %scan3A_328 : i32 to index
      %get3A_330 = memref.load %arg0[%get3A_329] : memref<1024xi32, #tpu.memory_space<smem>>
      %add3A_331 = arith.constant 0 : i32
      %add3A_332 = arith.addi %add3A_331, %scan3A_328 : i32
      %dma_start3A_333 = arith.constant 0 : i32
      %dma_start3A_334 = arith.constant 0 : i32
      %dma_start3A_335 = tpu.memref_slice %arg17[%add3A_332, %dma_start3A_334] : memref<3072x100xf32, #tpu.memory_space<vmem>> -> memref<1x100xf32, #tpu.memory_space<vmem>>
      %dma_start3A_336 = arith.constant 0 : i32
      %dma_start3A_337 = arith.constant 0 : i32
      %dma_start3A_338 = tpu.memref_slice %arg11[%dma_start3A_333, %dma_start3A_336, %dma_start3A_337] : memref<4x100000x100xf32, #tpu.memory_space<hbm>> -> memref<1x100000x100xf32, #tpu.memory_space<hbm>>
      %dma_start3A_339 = tpu.memref_squeeze %dma_start3A_338 : memref<1x100000x100xf32, #tpu.memory_space<hbm>> -> memref<100000x100xf32, #tpu.memory_space<hbm>>
      %dma_start3A_340 = arith.constant 0 : i32
      %dma_start3A_341 = tpu.memref_slice %dma_start3A_339[%get3A_330, %dma_start3A_340] : memref<100000x100xf32, #tpu.memory_space<hbm>> -> memref<1x100xf32, #tpu.memory_space<hbm>>
      tpu.enqueue_dma source(%dma_start3A_341 : memref<1x100xf32, #tpu.memory_space<hbm>>) target(%dma_start3A_335 : memref<1x100xf32, #tpu.memory_space<vmem>>) target_semaphore(%arg19 : memref<!tpu.dma_semaphore, #tpu.memory_space<semaphore_mem>>)
      %scan3A_342 = arith.constant 7 : i32
      %scan3A_343 = arith.addi %scan3A_239, %scan3A_342 : i32
      %get3A_344 = arith.index_cast %scan3A_343 : i32 to index
      %get3A_345 = memref.load %arg0[%get3A_344] : memref<1024xi32, #tpu.memory_space<smem>>
      %add3A_346 = arith.constant 0 : i32
      %add3A_347 = arith.addi %add3A_346, %scan3A_343 : i32
      %dma_start3A_348 = arith.constant 0 : i32
      %dma_start3A_349 = arith.constant 0 : i32
      %dma_start3A_350 = tpu.memref_slice %arg17[%add3A_347, %dma_start3A_349] : memref<3072x100xf32, #tpu.memory_space<vmem>> -> memref<1x100xf32, #tpu.memory_space<vmem>>
      %dma_start3A_351 = arith.constant 0 : i32
      %dma_start3A_352 = arith.constant 0 : i32
      %dma_start3A_353 = tpu.memref_slice %arg11[%dma_start3A_348, %dma_start3A_351, %dma_start3A_352] : memref<4x100000x100xf32, #tpu.memory_space<hbm>> -> memref<1x100000x100xf32, #tpu.memory_space<hbm>>
      %dma_start3A_354 = tpu.memref_squeeze %dma_start3A_353 : memref<1x100000x100xf32, #tpu.memory_space<hbm>> -> memref<100000x100xf32, #tpu.memory_space<hbm>>
      %dma_start3A_355 = arith.constant 0 : i32
      %dma_start3A_356 = tpu.memref_slice %dma_start3A_354[%get3A_345, %dma_start3A_355] : memref<100000x100xf32, #tpu.memory_space<hbm>> -> memref<1x100xf32, #tpu.memory_space<hbm>>
      tpu.enqueue_dma source(%dma_start3A_356 : memref<1x100xf32, #tpu.memory_space<hbm>>) target(%dma_start3A_350 : memref<1x100xf32, #tpu.memory_space<vmem>>) target_semaphore(%arg19 : memref<!tpu.dma_semaphore, #tpu.memory_space<semaphore_mem>>)
    }
    %scan3A_8 = arith.constant 1024 : i32
    %scan3A_9 = arith.constant 0 : i32
    %scan3A_10 = arith.constant 1024 : i32
    %scan3A_11 = arith.addi %scan3A_9, %scan3A_10 : i32
    %scan3A_12 = arith.constant 8 : i32
    scf.for %scan3A_239 = %scan3A_9 to %scan3A_11 step %scan3A_12  : i32 {
      %get3A_240 = arith.index_cast %scan3A_239 : i32 to index
      %get3A_241 = memref.load %arg0[%get3A_240] : memref<1024xi32, #tpu.memory_space<smem>>
      %add3A_242 = arith.constant 1024 : i32
      %add3A_243 = arith.addi %add3A_242, %scan3A_239 : i32
      %dma_start3A = arith.constant 1 : i32
      %dma_start3A_244 = arith.constant 0 : i32
      %dma_start3A_245 = tpu.memref_slice %arg17[%add3A_243, %dma_start3A_244] : memref<3072x100xf32, #tpu.memory_space<vmem>> -> memref<1x100xf32, #tpu.memory_space<vmem>>
      %dma_start3A_246 = arith.constant 0 : i32
      %dma_start3A_247 = arith.constant 0 : i32
      %dma_start3A_248 = tpu.memref_slice %arg11[%dma_start3A, %dma_start3A_246, %dma_start3A_247] : memref<4x100000x100xf32, #tpu.memory_space<hbm>> -> memref<1x100000x100xf32, #tpu.memory_space<hbm>>
      %dma_start3A_249 = tpu.memref_squeeze %dma_start3A_248 : memref<1x100000x100xf32, #tpu.memory_space<hbm>> -> memref<100000x100xf32, #tpu.memory_space<hbm>>
      %dma_start3A_250 = arith.constant 0 : i32
      %dma_start3A_251 = tpu.memref_slice %dma_start3A_249[%get3A_241, %dma_start3A_250] : memref<100000x100xf32, #tpu.memory_space<hbm>> -> memref<1x100xf32, #tpu.memory_space<hbm>>
      tpu.enqueue_dma source(%dma_start3A_251 : memref<1x100xf32, #tpu.memory_space<hbm>>) target(%dma_start3A_245 : memref<1x100xf32, #tpu.memory_space<vmem>>) target_semaphore(%arg19 : memref<!tpu.dma_semaphore, #tpu.memory_space<semaphore_mem>>)
      %scan3A_252 = arith.constant 1 : i32
      %scan3A_253 = arith.addi %scan3A_239, %scan3A_252 : i32
      %get3A_254 = arith.index_cast %scan3A_253 : i32 to index
      %get3A_255 = memref.load %arg0[%get3A_254] : memref<1024xi32, #tpu.memory_space<smem>>
      %add3A_256 = arith.constant 1024 : i32
      %add3A_257 = arith.addi %add3A_256, %scan3A_253 : i32
      %dma_start3A_258 = arith.constant 1 : i32
      %dma_start3A_259 = arith.constant 0 : i32
      %dma_start3A_260 = tpu.memref_slice %arg17[%add3A_257, %dma_start3A_259] : memref<3072x100xf32, #tpu.memory_space<vmem>> -> memref<1x100xf32, #tpu.memory_space<vmem>>
      %dma_start3A_261 = arith.constant 0 : i32
      %dma_start3A_262 = arith.constant 0 : i32
      %dma_start3A_263 = tpu.memref_slice %arg11[%dma_start3A_258, %dma_start3A_261, %dma_start3A_262] : memref<4x100000x100xf32, #tpu.memory_space<hbm>> -> memref<1x100000x100xf32, #tpu.memory_space<hbm>>
      %dma_start3A_264 = tpu.memref_squeeze %dma_start3A_263 : memref<1x100000x100xf32, #tpu.memory_space<hbm>> -> memref<100000x100xf32, #tpu.memory_space<hbm>>
      %dma_start3A_265 = arith.constant 0 : i32
      %dma_start3A_266 = tpu.memref_slice %dma_start3A_264[%get3A_255, %dma_start3A_265] : memref<100000x100xf32, #tpu.memory_space<hbm>> -> memref<1x100xf32, #tpu.memory_space<hbm>>
      tpu.enqueue_dma source(%dma_start3A_266 : memref<1x100xf32, #tpu.memory_space<hbm>>) target(%dma_start3A_260 : memref<1x100xf32, #tpu.memory_space<vmem>>) target_semaphore(%arg19 : memref<!tpu.dma_semaphore, #tpu.memory_space<semaphore_mem>>)
      %scan3A_267 = arith.constant 2 : i32
      %scan3A_268 = arith.addi %scan3A_239, %scan3A_267 : i32
      %get3A_269 = arith.index_cast %scan3A_268 : i32 to index
      %get3A_270 = memref.load %arg0[%get3A_269] : memref<1024xi32, #tpu.memory_space<smem>>
      %add3A_271 = arith.constant 1024 : i32
      %add3A_272 = arith.addi %add3A_271, %scan3A_268 : i32
      %dma_start3A_273 = arith.constant 1 : i32
      %dma_start3A_274 = arith.constant 0 : i32
      %dma_start3A_275 = tpu.memref_slice %arg17[%add3A_272, %dma_start3A_274] : memref<3072x100xf32, #tpu.memory_space<vmem>> -> memref<1x100xf32, #tpu.memory_space<vmem>>
      %dma_start3A_276 = arith.constant 0 : i32
      %dma_start3A_277 = arith.constant 0 : i32
      %dma_start3A_278 = tpu.memref_slice %arg11[%dma_start3A_273, %dma_start3A_276, %dma_start3A_277] : memref<4x100000x100xf32, #tpu.memory_space<hbm>> -> memref<1x100000x100xf32, #tpu.memory_space<hbm>>
      %dma_start3A_279 = tpu.memref_squeeze %dma_start3A_278 : memref<1x100000x100xf32, #tpu.memory_space<hbm>> -> memref<100000x100xf32, #tpu.memory_space<hbm>>
      %dma_start3A_280 = arith.constant 0 : i32
      %dma_start3A_281 = tpu.memref_slice %dma_start3A_279[%get3A_270, %dma_start3A_280] : memref<100000x100xf32, #tpu.memory_space<hbm>> -> memref<1x100xf32, #tpu.memory_space<hbm>>
      tpu.enqueue_dma source(%dma_start3A_281 : memref<1x100xf32, #tpu.memory_space<hbm>>) target(%dma_start3A_275 : memref<1x100xf32, #tpu.memory_space<vmem>>) target_semaphore(%arg19 : memref<!tpu.dma_semaphore, #tpu.memory_space<semaphore_mem>>)
      %scan3A_282 = arith.constant 3 : i32
      %scan3A_283 = arith.addi %scan3A_239, %scan3A_282 : i32
      %get3A_284 = arith.index_cast %scan3A_283 : i32 to index
      %get3A_285 = memref.load %arg0[%get3A_284] : memref<1024xi32, #tpu.memory_space<smem>>
      %add3A_286 = arith.constant 1024 : i32
      %add3A_287 = arith.addi %add3A_286, %scan3A_283 : i32
      %dma_start3A_288 = arith.constant 1 : i32
      %dma_start3A_289 = arith.constant 0 : i32
      %dma_start3A_290 = tpu.memref_slice %arg17[%add3A_287, %dma_start3A_289] : memref<3072x100xf32, #tpu.memory_space<vmem>> -> memref<1x100xf32, #tpu.memory_space<vmem>>
      %dma_start3A_291 = arith.constant 0 : i32
      %dma_start3A_292 = arith.constant 0 : i32
      %dma_start3A_293 = tpu.memref_slice %arg11[%dma_start3A_288, %dma_start3A_291, %dma_start3A_292] : memref<4x100000x100xf32, #tpu.memory_space<hbm>> -> memref<1x100000x100xf32, #tpu.memory_space<hbm>>
      %dma_start3A_294 = tpu.memref_squeeze %dma_start3A_293 : memref<1x100000x100xf32, #tpu.memory_space<hbm>> -> memref<100000x100xf32, #tpu.memory_space<hbm>>
      %dma_start3A_295 = arith.constant 0 : i32
      %dma_start3A_296 = tpu.memref_slice %dma_start3A_294[%get3A_285, %dma_start3A_295] : memref<100000x100xf32, #tpu.memory_space<hbm>> -> memref<1x100xf32, #tpu.memory_space<hbm>>
      tpu.enqueue_dma source(%dma_start3A_296 : memref<1x100xf32, #tpu.memory_space<hbm>>) target(%dma_start3A_290 : memref<1x100xf32, #tpu.memory_space<vmem>>) target_semaphore(%arg19 : memref<!tpu.dma_semaphore, #tpu.memory_space<semaphore_mem>>)
      %scan3A_297 = arith.constant 4 : i32
      %scan3A_298 = arith.addi %scan3A_239, %scan3A_297 : i32
      %get3A_299 = arith.index_cast %scan3A_298 : i32 to index
      %get3A_300 = memref.load %arg0[%get3A_299] : memref<1024xi32, #tpu.memory_space<smem>>
      %add3A_301 = arith.constant 1024 : i32
      %add3A_302 = arith.addi %add3A_301, %scan3A_298 : i32
      %dma_start3A_303 = arith.constant 1 : i32
      %dma_start3A_304 = arith.constant 0 : i32
      %dma_start3A_305 = tpu.memref_slice %arg17[%add3A_302, %dma_start3A_304] : memref<3072x100xf32, #tpu.memory_space<vmem>> -> memref<1x100xf32, #tpu.memory_space<vmem>>
      %dma_start3A_306 = arith.constant 0 : i32
      %dma_start3A_307 = arith.constant 0 : i32
      %dma_start3A_308 = tpu.memref_slice %arg11[%dma_start3A_303, %dma_start3A_306, %dma_start3A_307] : memref<4x100000x100xf32, #tpu.memory_space<hbm>> -> memref<1x100000x100xf32, #tpu.memory_space<hbm>>
      %dma_start3A_309 = tpu.memref_squeeze %dma_start3A_308 : memref<1x100000x100xf32, #tpu.memory_space<hbm>> -> memref<100000x100xf32, #tpu.memory_space<hbm>>
      %dma_start3A_310 = arith.constant 0 : i32
      %dma_start3A_311 = tpu.memref_slice %dma_start3A_309[%get3A_300, %dma_start3A_310] : memref<100000x100xf32, #tpu.memory_space<hbm>> -> memref<1x100xf32, #tpu.memory_space<hbm>>
      tpu.enqueue_dma source(%dma_start3A_311 : memref<1x100xf32, #tpu.memory_space<hbm>>) target(%dma_start3A_305 : memref<1x100xf32, #tpu.memory_space<vmem>>) target_semaphore(%arg19 : memref<!tpu.dma_semaphore, #tpu.memory_space<semaphore_mem>>)
      %scan3A_312 = arith.constant 5 : i32
      %scan3A_313 = arith.addi %scan3A_239, %scan3A_312 : i32
      %get3A_314 = arith.index_cast %scan3A_313 : i32 to index
      %get3A_315 = memref.load %arg0[%get3A_314] : memref<1024xi32, #tpu.memory_space<smem>>
      %add3A_316 = arith.constant 1024 : i32
      %add3A_317 = arith.addi %add3A_316, %scan3A_313 : i32
      %dma_start3A_318 = arith.constant 1 : i32
      %dma_start3A_319 = arith.constant 0 : i32
      %dma_start3A_320 = tpu.memref_slice %arg17[%add3A_317, %dma_start3A_319] : memref<3072x100xf32, #tpu.memory_space<vmem>> -> memref<1x100xf32, #tpu.memory_space<vmem>>
      %dma_start3A_321 = arith.constant 0 : i32
      %dma_start3A_322 = arith.constant 0 : i32
      %dma_start3A_323 = tpu.memref_slice %arg11[%dma_start3A_318, %dma_start3A_321, %dma_start3A_322] : memref<4x100000x100xf32, #tpu.memory_space<hbm>> -> memref<1x100000x100xf32, #tpu.memory_space<hbm>>
      %dma_start3A_324 = tpu.memref_squeeze %dma_start3A_323 : memref<1x100000x100xf32, #tpu.memory_space<hbm>> -> memref<100000x100xf32, #tpu.memory_space<hbm>>
      %dma_start3A_325 = arith.constant 0 : i32
      %dma_start3A_326 = tpu.memref_slice %dma_start3A_324[%get3A_315, %dma_start3A_325] : memref<100000x100xf32, #tpu.memory_space<hbm>> -> memref<1x100xf32, #tpu.memory_space<hbm>>
      tpu.enqueue_dma source(%dma_start3A_326 : memref<1x100xf32, #tpu.memory_space<hbm>>) target(%dma_start3A_320 : memref<1x100xf32, #tpu.memory_space<vmem>>) target_semaphore(%arg19 : memref<!tpu.dma_semaphore, #tpu.memory_space<semaphore_mem>>)
      %scan3A_327 = arith.constant 6 : i32
      %scan3A_328 = arith.addi %scan3A_239, %scan3A_327 : i32
      %get3A_329 = arith.index_cast %scan3A_328 : i32 to index
      %get3A_330 = memref.load %arg0[%get3A_329] : memref<1024xi32, #tpu.memory_space<smem>>
      %add3A_331 = arith.constant 1024 : i32
      %add3A_332 = arith.addi %add3A_331, %scan3A_328 : i32
      %dma_start3A_333 = arith.constant 1 : i32
      %dma_start3A_334 = arith.constant 0 : i32
      %dma_start3A_335 = tpu.memref_slice %arg17[%add3A_332, %dma_start3A_334] : memref<3072x100xf32, #tpu.memory_space<vmem>> -> memref<1x100xf32, #tpu.memory_space<vmem>>
      %dma_start3A_336 = arith.constant 0 : i32
      %dma_start3A_337 = arith.constant 0 : i32
      %dma_start3A_338 = tpu.memref_slice %arg11[%dma_start3A_333, %dma_start3A_336, %dma_start3A_337] : memref<4x100000x100xf32, #tpu.memory_space<hbm>> -> memref<1x100000x100xf32, #tpu.memory_space<hbm>>
      %dma_start3A_339 = tpu.memref_squeeze %dma_start3A_338 : memref<1x100000x100xf32, #tpu.memory_space<hbm>> -> memref<100000x100xf32, #tpu.memory_space<hbm>>
      %dma_start3A_340 = arith.constant 0 : i32
      %dma_start3A_341 = tpu.memref_slice %dma_start3A_339[%get3A_330, %dma_start3A_340] : memref<100000x100xf32, #tpu.memory_space<hbm>> -> memref<1x100xf32, #tpu.memory_space<hbm>>
      tpu.enqueue_dma source(%dma_start3A_341 : memref<1x100xf32, #tpu.memory_space<hbm>>) target(%dma_start3A_335 : memref<1x100xf32, #tpu.memory_space<vmem>>) target_semaphore(%arg19 : memref<!tpu.dma_semaphore, #tpu.memory_space<semaphore_mem>>)
      %scan3A_342 = arith.constant 7 : i32
      %scan3A_343 = arith.addi %scan3A_239, %scan3A_342 : i32
      %get3A_344 = arith.index_cast %scan3A_343 : i32 to index
      %get3A_345 = memref.load %arg0[%get3A_344] : memref<1024xi32, #tpu.memory_space<smem>>
      %add3A_346 = arith.constant 1024 : i32
      %add3A_347 = arith.addi %add3A_346, %scan3A_343 : i32
      %dma_start3A_348 = arith.constant 1 : i32
      %dma_start3A_349 = arith.constant 0 : i32
      %dma_start3A_350 = tpu.memref_slice %arg17[%add3A_347, %dma_start3A_349] : memref<3072x100xf32, #tpu.memory_space<vmem>> -> memref<1x100xf32, #tpu.memory_space<vmem>>
      %dma_start3A_351 = arith.constant 0 : i32
      %dma_start3A_352 = arith.constant 0 : i32
      %dma_start3A_353 = tpu.memref_slice %arg11[%dma_start3A_348, %dma_start3A_351, %dma_start3A_352] : memref<4x100000x100xf32, #tpu.memory_space<hbm>> -> memref<1x100000x100xf32, #tpu.memory_space<hbm>>
      %dma_start3A_354 = tpu.memref_squeeze %dma_start3A_353 : memref<1x100000x100xf32, #tpu.memory_space<hbm>> -> memref<100000x100xf32, #tpu.memory_space<hbm>>
      %dma_start3A_355 = arith.constant 0 : i32
      %dma_start3A_356 = tpu.memref_slice %dma_start3A_354[%get3A_345, %dma_start3A_355] : memref<100000x100xf32, #tpu.memory_space<hbm>> -> memref<1x100xf32, #tpu.memory_space<hbm>>
      tpu.enqueue_dma source(%dma_start3A_356 : memref<1x100xf32, #tpu.memory_space<hbm>>) target(%dma_start3A_350 : memref<1x100xf32, #tpu.memory_space<vmem>>) target_semaphore(%arg19 : memref<!tpu.dma_semaphore, #tpu.memory_space<semaphore_mem>>)
    }
    %scan3A_13 = arith.constant 1024 : i32
    %scan3A_14 = arith.constant 0 : i32
    %scan3A_15 = arith.constant 1024 : i32
    %scan3A_16 = arith.addi %scan3A_14, %scan3A_15 : i32
    %scan3A_17 = arith.constant 8 : i32
    scf.for %scan3A_239 = %scan3A_14 to %scan3A_16 step %scan3A_17  : i32 {
      %get3A_240 = arith.index_cast %scan3A_239 : i32 to index
      %get3A_241 = memref.load %arg0[%get3A_240] : memref<1024xi32, #tpu.memory_space<smem>>
      %add3A_242 = arith.constant 2048 : i32
      %add3A_243 = arith.addi %add3A_242, %scan3A_239 : i32
      %dma_start3A = arith.constant 2 : i32
      %dma_start3A_244 = arith.constant 0 : i32
      %dma_start3A_245 = tpu.memref_slice %arg17[%add3A_243, %dma_start3A_244] : memref<3072x100xf32, #tpu.memory_space<vmem>> -> memref<1x100xf32, #tpu.memory_space<vmem>>
      %dma_start3A_246 = arith.constant 0 : i32
      %dma_start3A_247 = arith.constant 0 : i32
      %dma_start3A_248 = tpu.memref_slice %arg11[%dma_start3A, %dma_start3A_246, %dma_start3A_247] : memref<4x100000x100xf32, #tpu.memory_space<hbm>> -> memref<1x100000x100xf32, #tpu.memory_space<hbm>>
      %dma_start3A_249 = tpu.memref_squeeze %dma_start3A_248 : memref<1x100000x100xf32, #tpu.memory_space<hbm>> -> memref<100000x100xf32, #tpu.memory_space<hbm>>
      %dma_start3A_250 = arith.constant 0 : i32
      %dma_start3A_251 = tpu.memref_slice %dma_start3A_249[%get3A_241, %dma_start3A_250] : memref<100000x100xf32, #tpu.memory_space<hbm>> -> memref<1x100xf32, #tpu.memory_space<hbm>>
      tpu.enqueue_dma source(%dma_start3A_251 : memref<1x100xf32, #tpu.memory_space<hbm>>) target(%dma_start3A_245 : memref<1x100xf32, #tpu.memory_space<vmem>>) target_semaphore(%arg19 : memref<!tpu.dma_semaphore, #tpu.memory_space<semaphore_mem>>)
      %scan3A_252 = arith.constant 1 : i32
      %scan3A_253 = arith.addi %scan3A_239, %scan3A_252 : i32
      %get3A_254 = arith.index_cast %scan3A_253 : i32 to index
      %get3A_255 = memref.load %arg0[%get3A_254] : memref<1024xi32, #tpu.memory_space<smem>>
      %add3A_256 = arith.constant 2048 : i32
      %add3A_257 = arith.addi %add3A_256, %scan3A_253 : i32
      %dma_start3A_258 = arith.constant 2 : i32
      %dma_start3A_259 = arith.constant 0 : i32
      %dma_start3A_260 = tpu.memref_slice %arg17[%add3A_257, %dma_start3A_259] : memref<3072x100xf32, #tpu.memory_space<vmem>> -> memref<1x100xf32, #tpu.memory_space<vmem>>
      %dma_start3A_261 = arith.constant 0 : i32
      %dma_start3A_262 = arith.constant 0 : i32
      %dma_start3A_263 = tpu.memref_slice %arg11[%dma_start3A_258, %dma_start3A_261, %dma_start3A_262] : memref<4x100000x100xf32, #tpu.memory_space<hbm>> -> memref<1x100000x100xf32, #tpu.memory_space<hbm>>
      %dma_start3A_264 = tpu.memref_squeeze %dma_start3A_263 : memref<1x100000x100xf32, #tpu.memory_space<hbm>> -> memref<100000x100xf32, #tpu.memory_space<hbm>>
      %dma_start3A_265 = arith.constant 0 : i32
      %dma_start3A_266 = tpu.memref_slice %dma_start3A_264[%get3A_255, %dma_start3A_265] : memref<100000x100xf32, #tpu.memory_space<hbm>> -> memref<1x100xf32, #tpu.memory_space<hbm>>
      tpu.enqueue_dma source(%dma_start3A_266 : memref<1x100xf32, #tpu.memory_space<hbm>>) target(%dma_start3A_260 : memref<1x100xf32, #tpu.memory_space<vmem>>) target_semaphore(%arg19 : memref<!tpu.dma_semaphore, #tpu.memory_space<semaphore_mem>>)
      %scan3A_267 = arith.constant 2 : i32
      %scan3A_268 = arith.addi %scan3A_239, %scan3A_267 : i32
      %get3A_269 = arith.index_cast %scan3A_268 : i32 to index
      %get3A_270 = memref.load %arg0[%get3A_269] : memref<1024xi32, #tpu.memory_space<smem>>
      %add3A_271 = arith.constant 2048 : i32
      %add3A_272 = arith.addi %add3A_271, %scan3A_268 : i32
      %dma_start3A_273 = arith.constant 2 : i32
      %dma_start3A_274 = arith.constant 0 : i32
      %dma_start3A_275 = tpu.memref_slice %arg17[%add3A_272, %dma_start3A_274] : memref<3072x100xf32, #tpu.memory_space<vmem>> -> memref<1x100xf32, #tpu.memory_space<vmem>>
      %dma_start3A_276 = arith.constant 0 : i32
      %dma_start3A_277 = arith.constant 0 : i32
      %dma_start3A_278 = tpu.memref_slice %arg11[%dma_start3A_273, %dma_start3A_276, %dma_start3A_277] : memref<4x100000x100xf32, #tpu.memory_space<hbm>> -> memref<1x100000x100xf32, #tpu.memory_space<hbm>>
      %dma_start3A_279 = tpu.memref_squeeze %dma_start3A_278 : memref<1x100000x100xf32, #tpu.memory_space<hbm>> -> memref<100000x100xf32, #tpu.memory_space<hbm>>
      %dma_start3A_280 = arith.constant 0 : i32
      %dma_start3A_281 = tpu.memref_slice %dma_start3A_279[%get3A_270, %dma_start3A_280] : memref<100000x100xf32, #tpu.memory_space<hbm>> -> memref<1x100xf32, #tpu.memory_space<hbm>>
      tpu.enqueue_dma source(%dma_start3A_281 : memref<1x100xf32, #tpu.memory_space<hbm>>) target(%dma_start3A_275 : memref<1x100xf32, #tpu.memory_space<vmem>>) target_semaphore(%arg19 : memref<!tpu.dma_semaphore, #tpu.memory_space<semaphore_mem>>)
      %scan3A_282 = arith.constant 3 : i32
      %scan3A_283 = arith.addi %scan3A_239, %scan3A_282 : i32
      %get3A_284 = arith.index_cast %scan3A_283 : i32 to index
      %get3A_285 = memref.load %arg0[%get3A_284] : memref<1024xi32, #tpu.memory_space<smem>>
      %add3A_286 = arith.constant 2048 : i32
      %add3A_287 = arith.addi %add3A_286, %scan3A_283 : i32
      %dma_start3A_288 = arith.constant 2 : i32
      %dma_start3A_289 = arith.constant 0 : i32
      %dma_start3A_290 = tpu.memref_slice %arg17[%add3A_287, %dma_start3A_289] : memref<3072x100xf32, #tpu.memory_space<vmem>> -> memref<1x100xf32, #tpu.memory_space<vmem>>
      %dma_start3A_291 = arith.constant 0 : i32
      %dma_start3A_292 = arith.constant 0 : i32
      %dma_start3A_293 = tpu.memref_slice %arg11[%dma_start3A_288, %dma_start3A_291, %dma_start3A_292] : memref<4x100000x100xf32, #tpu.memory_space<hbm>> -> memref<1x100000x100xf32, #tpu.memory_space<hbm>>
      %dma_start3A_294 = tpu.memref_squeeze %dma_start3A_293 : memref<1x100000x100xf32, #tpu.memory_space<hbm>> -> memref<100000x100xf32, #tpu.memory_space<hbm>>
      %dma_start3A_295 = arith.constant 0 : i32
      %dma_start3A_296 = tpu.memref_slice %dma_start3A_294[%get3A_285, %dma_start3A_295] : memref<100000x100xf32, #tpu.memory_space<hbm>> -> memref<1x100xf32, #tpu.memory_space<hbm>>
      tpu.enqueue_dma source(%dma_start3A_296 : memref<1x100xf32, #tpu.memory_space<hbm>>) target(%dma_start3A_290 : memref<1x100xf32, #tpu.memory_space<vmem>>) target_semaphore(%arg19 : memref<!tpu.dma_semaphore, #tpu.memory_space<semaphore_mem>>)
      %scan3A_297 = arith.constant 4 : i32
      %scan3A_298 = arith.addi %scan3A_239, %scan3A_297 : i32
      %get3A_299 = arith.index_cast %scan3A_298 : i32 to index
      %get3A_300 = memref.load %arg0[%get3A_299] : memref<1024xi32, #tpu.memory_space<smem>>
      %add3A_301 = arith.constant 2048 : i32
      %add3A_302 = arith.addi %add3A_301, %scan3A_298 : i32
      %dma_start3A_303 = arith.constant 2 : i32
      %dma_start3A_304 = arith.constant 0 : i32
      %dma_start3A_305 = tpu.memref_slice %arg17[%add3A_302, %dma_start3A_304] : memref<3072x100xf32, #tpu.memory_space<vmem>> -> memref<1x100xf32, #tpu.memory_space<vmem>>
      %dma_start3A_306 = arith.constant 0 : i32
      %dma_start3A_307 = arith.constant 0 : i32
      %dma_start3A_308 = tpu.memref_slice %arg11[%dma_start3A_303, %dma_start3A_306, %dma_start3A_307] : memref<4x100000x100xf32, #tpu.memory_space<hbm>> -> memref<1x100000x100xf32, #tpu.memory_space<hbm>>
      %dma_start3A_309 = tpu.memref_squeeze %dma_start3A_308 : memref<1x100000x100xf32, #tpu.memory_space<hbm>> -> memref<100000x100xf32, #tpu.memory_space<hbm>>
      %dma_start3A_310 = arith.constant 0 : i32
      %dma_start3A_311 = tpu.memref_slice %dma_start3A_309[%get3A_300, %dma_start3A_310] : memref<100000x100xf32, #tpu.memory_space<hbm>> -> memref<1x100xf32, #tpu.memory_space<hbm>>
      tpu.enqueue_dma source(%dma_start3A_311 : memref<1x100xf32, #tpu.memory_space<hbm>>) target(%dma_start3A_305 : memref<1x100xf32, #tpu.memory_space<vmem>>) target_semaphore(%arg19 : memref<!tpu.dma_semaphore, #tpu.memory_space<semaphore_mem>>)
      %scan3A_312 = arith.constant 5 : i32
      %scan3A_313 = arith.addi %scan3A_239, %scan3A_312 : i32
      %get3A_314 = arith.index_cast %scan3A_313 : i32 to index
      %get3A_315 = memref.load %arg0[%get3A_314] : memref<1024xi32, #tpu.memory_space<smem>>
      %add3A_316 = arith.constant 2048 : i32
      %add3A_317 = arith.addi %add3A_316, %scan3A_313 : i32
      %dma_start3A_318 = arith.constant 2 : i32
      %dma_start3A_319 = arith.constant 0 : i32
      %dma_start3A_320 = tpu.memref_slice %arg17[%add3A_317, %dma_start3A_319] : memref<3072x100xf32, #tpu.memory_space<vmem>> -> memref<1x100xf32, #tpu.memory_space<vmem>>
      %dma_start3A_321 = arith.constant 0 : i32
      %dma_start3A_322 = arith.constant 0 : i32
      %dma_start3A_323 = tpu.memref_slice %arg11[%dma_start3A_318, %dma_start3A_321, %dma_start3A_322] : memref<4x100000x100xf32, #tpu.memory_space<hbm>> -> memref<1x100000x100xf32, #tpu.memory_space<hbm>>
      %dma_start3A_324 = tpu.memref_squeeze %dma_start3A_323 : memref<1x100000x100xf32, #tpu.memory_space<hbm>> -> memref<100000x100xf32, #tpu.memory_space<hbm>>
      %dma_start3A_325 = arith.constant 0 : i32
      %dma_start3A_326 = tpu.memref_slice %dma_start3A_324[%get3A_315, %dma_start3A_325] : memref<100000x100xf32, #tpu.memory_space<hbm>> -> memref<1x100xf32, #tpu.memory_space<hbm>>
      tpu.enqueue_dma source(%dma_start3A_326 : memref<1x100xf32, #tpu.memory_space<hbm>>) target(%dma_start3A_320 : memref<1x100xf32, #tpu.memory_space<vmem>>) target_semaphore(%arg19 : memref<!tpu.dma_semaphore, #tpu.memory_space<semaphore_mem>>)
      %scan3A_327 = arith.constant 6 : i32
      %scan3A_328 = arith.addi %scan3A_239, %scan3A_327 : i32
      %get3A_329 = arith.index_cast %scan3A_328 : i32 to index
      %get3A_330 = memref.load %arg0[%get3A_329] : memref<1024xi32, #tpu.memory_space<smem>>
      %add3A_331 = arith.constant 2048 : i32
      %add3A_332 = arith.addi %add3A_331, %scan3A_328 : i32
      %dma_start3A_333 = arith.constant 2 : i32
      %dma_start3A_334 = arith.constant 0 : i32
      %dma_start3A_335 = tpu.memref_slice %arg17[%add3A_332, %dma_start3A_334] : memref<3072x100xf32, #tpu.memory_space<vmem>> -> memref<1x100xf32, #tpu.memory_space<vmem>>
      %dma_start3A_336 = arith.constant 0 : i32
      %dma_start3A_337 = arith.constant 0 : i32
      %dma_start3A_338 = tpu.memref_slice %arg11[%dma_start3A_333, %dma_start3A_336, %dma_start3A_337] : memref<4x100000x100xf32, #tpu.memory_space<hbm>> -> memref<1x100000x100xf32, #tpu.memory_space<hbm>>
      %dma_start3A_339 = tpu.memref_squeeze %dma_start3A_338 : memref<1x100000x100xf32, #tpu.memory_space<hbm>> -> memref<100000x100xf32, #tpu.memory_space<hbm>>
      %dma_start3A_340 = arith.constant 0 : i32
      %dma_start3A_341 = tpu.memref_slice %dma_start3A_339[%get3A_330, %dma_start3A_340] : memref<100000x100xf32, #tpu.memory_space<hbm>> -> memref<1x100xf32, #tpu.memory_space<hbm>>
      tpu.enqueue_dma source(%dma_start3A_341 : memref<1x100xf32, #tpu.memory_space<hbm>>) target(%dma_start3A_335 : memref<1x100xf32, #tpu.memory_space<vmem>>) target_semaphore(%arg19 : memref<!tpu.dma_semaphore, #tpu.memory_space<semaphore_mem>>)
      %scan3A_342 = arith.constant 7 : i32
      %scan3A_343 = arith.addi %scan3A_239, %scan3A_342 : i32
      %get3A_344 = arith.index_cast %scan3A_343 : i32 to index
      %get3A_345 = memref.load %arg0[%get3A_344] : memref<1024xi32, #tpu.memory_space<smem>>
      %add3A_346 = arith.constant 2048 : i32
      %add3A_347 = arith.addi %add3A_346, %scan3A_343 : i32
      %dma_start3A_348 = arith.constant 2 : i32
      %dma_start3A_349 = arith.constant 0 : i32
      %dma_start3A_350 = tpu.memref_slice %arg17[%add3A_347, %dma_start3A_349] : memref<3072x100xf32, #tpu.memory_space<vmem>> -> memref<1x100xf32, #tpu.memory_space<vmem>>
      %dma_start3A_351 = arith.constant 0 : i32
      %dma_start3A_352 = arith.constant 0 : i32
      %dma_start3A_353 = tpu.memref_slice %arg11[%dma_start3A_348, %dma_start3A_351, %dma_start3A_352] : memref<4x100000x100xf32, #tpu.memory_space<hbm>> -> memref<1x100000x100xf32, #tpu.memory_space<hbm>>
      %dma_start3A_354 = tpu.memref_squeeze %dma_start3A_353 : memref<1x100000x100xf32, #tpu.memory_space<hbm>> -> memref<100000x100xf32, #tpu.memory_space<hbm>>
      %dma_start3A_355 = arith.constant 0 : i32
      %dma_start3A_356 = tpu.memref_slice %dma_start3A_354[%get3A_345, %dma_start3A_355] : memref<100000x100xf32, #tpu.memory_space<hbm>> -> memref<1x100xf32, #tpu.memory_space<hbm>>
      tpu.enqueue_dma source(%dma_start3A_356 : memref<1x100xf32, #tpu.memory_space<hbm>>) target(%dma_start3A_350 : memref<1x100xf32, #tpu.memory_space<vmem>>) target_semaphore(%arg19 : memref<!tpu.dma_semaphore, #tpu.memory_space<semaphore_mem>>)
    }
    %scan3A_18 = arith.constant 1024 : i32
    %get3A_19 = arith.constant 0 : index
    %get3A_20 = arith.constant 0 : index
    %get3A_21 = vector.load %arg7[%get3A_19, %get3A_20] : memref<64x128xf32, #tpu.memory_space<vmem>>, vector<64x128xf32>
    %dot_general3A = arith.constant dense<0.000000e+00> : vector<1024x64xf32>
    %dot_general3A_22 = tpu.matmul %get3A_1, %get3A_21, %dot_general3A {dimension_numbers = #tpu.dot_dimension_numbers<[1], [1], [0], [0], [0, 0, 1, 0], [], []>, transpose_lhs_hint = false} : vector<1024x128xf32>, vector<64x128xf32>, vector<1024x64xf32> -> vector<1024x64xf32>
    %get3A_23 = arith.constant 0 : index
    %get3A_24 = arith.constant 0 : index
    %get3A_25 = vector.load %arg8[%get3A_23, %get3A_24] : memref<1x64xf32, #tpu.memory_space<vmem>>, vector<1x64xf32>
    %add3A = vector.broadcast %get3A_25 : vector<1x64xf32> to vector<1024x64xf32>
    %add3A_26 = arith.addf %dot_general3A_22, %add3A : vector<1024x64xf32>
    %get3A_27 = arith.constant 0 : index
    %get3A_28 = arith.constant 0 : index
    %get3A_29 = vector.load %arg9[%get3A_27, %get3A_28] : memref<64x128xf32, #tpu.memory_space<vmem>>, vector<64x128xf32>
    %dot_general3A_30 = arith.constant dense<0.000000e+00> : vector<1024x128xf32>
    %dot_general3A_31 = tpu.matmul %add3A_26, %get3A_29, %dot_general3A_30 {dimension_numbers = #tpu.dot_dimension_numbers<[1], [0], [0], [1], [0, 0, 1, 1], [], []>, transpose_lhs_hint = false} : vector<1024x64xf32>, vector<64x128xf32>, vector<1024x128xf32> -> vector<1024x128xf32>
    %get3A_32 = arith.constant 0 : index
    %get3A_33 = arith.constant 0 : index
    %get3A_34 = vector.load %arg10[%get3A_32, %get3A_33] : memref<64x1xf32, #tpu.memory_space<vmem>>, vector<64x1xf32>
    %dot_general3A_35 = arith.constant dense<0.000000e+00> : vector<1024x1xf32>
    %dot_general3A_36 = tpu.matmul %add3A_26, %get3A_34, %dot_general3A_35 {dimension_numbers = #tpu.dot_dimension_numbers<[1], [0], [0], [1], [0, 0, 1, 1], [], []>, transpose_lhs_hint = false} : vector<1024x64xf32>, vector<64x1xf32>, vector<1024x1xf32> -> vector<1024x1xf32>
    %get3A_37 = arith.constant 0 : index
    %get3A_38 = arith.constant 0 : index
    %get3A_39 = vector.load %arg6[%get3A_37, %get3A_38] : memref<3072x128xf32, #tpu.memory_space<vmem>>, vector<1024x128xf32>
    %mul3A = arith.mulf %dot_general3A_31, %get3A_39 : vector<1024x128xf32>
    %reduce_sum3A = arith.constant dense<0.000000e+00> : vector<1024xf32>
    %reduce_sum3A_40 = vector.multi_reduction <add>, %mul3A, %reduce_sum3A [1] : vector<1024x128xf32> to vector<1024xf32>
    %broadcast_in_dim3A = vector.shape_cast %reduce_sum3A_40 : vector<1024xf32> to vector<1024x1xf32>
    %add3A_41 = arith.addf %broadcast_in_dim3A, %dot_general3A_36 : vector<1024x1xf32>
    %get3A_42 = arith.constant 1024 : index
    %get3A_43 = arith.constant 0 : index
    %get3A_44 = vector.load %arg6[%get3A_42, %get3A_43] : memref<3072x128xf32, #tpu.memory_space<vmem>>, vector<1024x128xf32>
    %mul3A_45 = arith.mulf %dot_general3A_31, %get3A_44 : vector<1024x128xf32>
    %reduce_sum3A_46 = arith.constant dense<0.000000e+00> : vector<1024xf32>
    %reduce_sum3A_47 = vector.multi_reduction <add>, %mul3A_45, %reduce_sum3A_46 [1] : vector<1024x128xf32> to vector<1024xf32>
    %broadcast_in_dim3A_48 = vector.shape_cast %reduce_sum3A_47 : vector<1024xf32> to vector<1024x1xf32>
    %add3A_49 = arith.addf %broadcast_in_dim3A_48, %dot_general3A_36 : vector<1024x1xf32>
    %get3A_50 = arith.constant 2048 : index
    %get3A_51 = arith.constant 0 : index
    %get3A_52 = vector.load %arg6[%get3A_50, %get3A_51] : memref<3072x128xf32, #tpu.memory_space<vmem>>, vector<1024x128xf32>
    %mul3A_53 = arith.mulf %dot_general3A_31, %get3A_52 : vector<1024x128xf32>
    %reduce_sum3A_54 = arith.constant dense<0.000000e+00> : vector<1024xf32>
    %reduce_sum3A_55 = vector.multi_reduction <add>, %mul3A_53, %reduce_sum3A_54 [1] : vector<1024x128xf32> to vector<1024xf32>
    %broadcast_in_dim3A_56 = vector.shape_cast %reduce_sum3A_55 : vector<1024xf32> to vector<1024x1xf32>
    %add3A_57 = arith.addf %broadcast_in_dim3A_56, %dot_general3A_36 : vector<1024x1xf32>
    %max3A = arith.maximumf %add3A_41, %add3A_49 : vector<1024x1xf32>
    %max3A_58 = arith.maximumf %max3A, %add3A_57 : vector<1024x1xf32>
    %sub3A = arith.subf %add3A_41, %max3A_58 : vector<1024x1xf32>
    %exp3A = math.exp %sub3A : vector<1024x1xf32>
    %sub3A_59 = arith.subf %add3A_49, %max3A_58 : vector<1024x1xf32>
    %exp3A_60 = math.exp %sub3A_59 : vector<1024x1xf32>
    %sub3A_61 = arith.subf %add3A_57, %max3A_58 : vector<1024x1xf32>
    %exp3A_62 = math.exp %sub3A_61 : vector<1024x1xf32>
    %add3A_63 = arith.addf %exp3A, %exp3A_60 : vector<1024x1xf32>
    %add3A_64 = arith.addf %add3A_63, %exp3A_62 : vector<1024x1xf32>
    %dma_wait3A = arith.constant 0 : i32
    %dma_wait3A_65 = arith.constant 0 : i32
    %dma_wait3A_66 = arith.constant 0 : i32
    %dma_wait3A_67 = tpu.memref_slice %arg11[%dma_wait3A, %dma_wait3A_65, %dma_wait3A_66] : memref<4x100000x100xf32, #tpu.memory_space<hbm>> -> memref<1x100000x100xf32, #tpu.memory_space<hbm>>
    %dma_wait3A_68 = tpu.memref_squeeze %dma_wait3A_67 : memref<1x100000x100xf32, #tpu.memory_space<hbm>> -> memref<100000x100xf32, #tpu.memory_space<hbm>>
    %dma_wait3A_69 = arith.constant 0 : i32
    %dma_wait3A_70 = arith.constant 0 : i32
    %dma_wait3A_71 = tpu.memref_slice %dma_wait3A_68[%dma_wait3A_69, %dma_wait3A_70] : memref<100000x100xf32, #tpu.memory_space<hbm>> -> memref<3072x100xf32, #tpu.memory_space<hbm>>
    tpu.wait_dma2 semaphore(%arg19 : memref<!tpu.dma_semaphore, #tpu.memory_space<semaphore_mem>>) src(%dma_wait3A_71 : memref<3072x100xf32, #tpu.memory_space<hbm>>) dst(%arg17 : memref<3072x100xf32, #tpu.memory_space<vmem>>)
    %div3A = arith.divf %exp3A, %add3A_64 : vector<1024x1xf32>
    %get3A_72 = arith.constant 0 : index
    %get3A_73 = arith.constant 0 : index
    %get3A_74 = vector.load %arg17[%get3A_72, %get3A_73] : memref<3072x100xf32, #tpu.memory_space<vmem>>, vector<1024x100xf32>
    %mul3A_75 = vector.broadcast %div3A : vector<1024x1xf32> to vector<1024x100xf32>
    %mul3A_76 = arith.mulf %mul3A_75, %get3A_74 : vector<1024x100xf32>
    %div3A_77 = arith.divf %exp3A_60, %add3A_64 : vector<1024x1xf32>
    %get3A_78 = arith.constant 1024 : index
    %get3A_79 = arith.constant 0 : index
    %get3A_80 = vector.load %arg17[%get3A_78, %get3A_79] : memref<3072x100xf32, #tpu.memory_space<vmem>>, vector<1024x100xf32>
    %mul3A_81 = vector.broadcast %div3A_77 : vector<1024x1xf32> to vector<1024x100xf32>
    %mul3A_82 = arith.mulf %mul3A_81, %get3A_80 : vector<1024x100xf32>
    %add3A_83 = arith.addf %mul3A_76, %mul3A_82 : vector<1024x100xf32>
    %div3A_84 = arith.divf %exp3A_62, %add3A_64 : vector<1024x1xf32>
    %get3A_85 = arith.constant 2048 : index
    %get3A_86 = arith.constant 0 : index
    %get3A_87 = vector.load %arg17[%get3A_85, %get3A_86] : memref<3072x100xf32, #tpu.memory_space<vmem>>, vector<1024x100xf32>
    %mul3A_88 = vector.broadcast %div3A_84 : vector<1024x1xf32> to vector<1024x100xf32>
    %mul3A_89 = arith.mulf %mul3A_88, %get3A_87 : vector<1024x100xf32>
    %add3A_90 = arith.addf %add3A_83, %mul3A_89 : vector<1024x100xf32>
    %mul3A_91 = arith.constant 0.333333343 : f32
    %mul3A_92 = vector.broadcast %mul3A_91 : f32 to vector<1024x100xf32>
    %mul3A_93 = arith.mulf %add3A_90, %mul3A_92 : vector<1024x100xf32>
    %reduce_max3A = arith.constant dense<0xFF800000> : vector<1024xf32>
    %reduce_max3A_94 = vector.multi_reduction <maximumf>, %mul3A_93, %reduce_max3A [1] : vector<1024x100xf32> to vector<1024xf32>
    %broadcast_in_dim3A_95 = vector.shape_cast %reduce_max3A_94 : vector<1024xf32> to vector<1024x1xf32>
    %sub3A_96 = vector.broadcast %broadcast_in_dim3A_95 : vector<1024x1xf32> to vector<1024x100xf32>
    %sub3A_97 = arith.subf %mul3A_93, %sub3A_96 : vector<1024x100xf32>
    %exp3A_98 = math.exp %sub3A_97 : vector<1024x100xf32>
    %reduce_sum3A_99 = arith.constant dense<0.000000e+00> : vector<1024xf32>
    %reduce_sum3A_100 = vector.multi_reduction <add>, %exp3A_98, %reduce_sum3A_99 [1] : vector<1024x100xf32> to vector<1024xf32>
    %broadcast_in_dim3A_101 = vector.shape_cast %reduce_sum3A_100 : vector<1024xf32> to vector<1024x1xf32>
    %div3A_102 = vector.broadcast %broadcast_in_dim3A_101 : vector<1024x1xf32> to vector<1024x100xf32>
    %div3A_103 = arith.divf %exp3A_98, %div3A_102 : vector<1024x100xf32>
    %swap3A = arith.constant 0 : index
    %swap3A_104 = arith.constant 0 : index
    %swap3A_105 = vector.load %arg14[%swap3A, %swap3A_104] : memref<1024x100xf32, #tpu.memory_space<vmem>>, vector<1024x100xf32>
    tpu.vector_store %arg14[%swap3A, %swap3A_104], %div3A_103 {strides = array<i32>} : memref<1024x100xf32, #tpu.memory_space<vmem>>, vector<1024x100xf32>,
    %reduce_max3A_106 = arith.constant dense<0xFF800000> : vector<1024xf32>
    %reduce_max3A_107 = vector.multi_reduction <maximumf>, %get3A_4, %reduce_max3A_106 [1] : vector<1024x100xf32> to vector<1024xf32>
    %broadcast_in_dim3A_108 = vector.shape_cast %reduce_max3A_107 : vector<1024xf32> to vector<1024x1xf32>
    %sub3A_109 = vector.broadcast %broadcast_in_dim3A_108 : vector<1024x1xf32> to vector<1024x100xf32>
    %sub3A_110 = arith.subf %get3A_4, %sub3A_109 : vector<1024x100xf32>
    %exp3A_111 = math.exp %sub3A_110 : vector<1024x100xf32>
    %reduce_sum3A_112 = arith.constant dense<0.000000e+00> : vector<1024xf32>
    %reduce_sum3A_113 = vector.multi_reduction <add>, %exp3A_111, %reduce_sum3A_112 [1] : vector<1024x100xf32> to vector<1024xf32>
    %broadcast_in_dim3A_114 = vector.shape_cast %reduce_sum3A_113 : vector<1024xf32> to vector<1024x1xf32>
    %log3A = math.log %broadcast_in_dim3A_114 : vector<1024x1xf32>
    %add3A_115 = arith.addf %log3A, %broadcast_in_dim3A_108 : vector<1024x1xf32>
    %iota3A = tpu.iota {dimensions = array<i32: 1>} : vector<1024x100xi32>
    %get3A_116 = arith.constant 0 : index
    %get3A_117 = arith.constant 0 : index
    %get3A_118 = vector.load %arg3[%get3A_116, %get3A_117] : memref<1024x1xi32, #tpu.memory_space<vmem>>, vector<1024x1xi32>
    %eq3A = vector.broadcast %get3A_118 : vector<1024x1xi32> to vector<1024x100xi32>
    %eq3A_119 = arith.cmpi eq, %iota3A, %eq3A : vector<1024x100xi32>
    %convert_element_type3A = arith.extui %eq3A_119 : vector<1024x100xi1> to vector<1024x100xi32>
    %convert_element_type3A_120 = arith.sitofp %convert_element_type3A : vector<1024x100xi32> to vector<1024x100xf32>
    %mul3A_121 = arith.mulf %get3A_4, %convert_element_type3A_120 : vector<1024x100xf32>
    %reduce_sum3A_122 = arith.constant dense<0.000000e+00> : vector<1024xf32>
    %reduce_sum3A_123 = vector.multi_reduction <add>, %mul3A_121, %reduce_sum3A_122 [1] : vector<1024x100xf32> to vector<1024xf32>
    %broadcast_in_dim3A_124 = vector.shape_cast %reduce_sum3A_123 : vector<1024xf32> to vector<1024x1xf32>
    %sub3A_125 = arith.subf %add3A_115, %broadcast_in_dim3A_124 : vector<1024x1xf32>
    %reduce_sum3A_126 = arith.constant dense<0.000000e+00> : vector<1xf32>
    %reduce_sum3A_127 = vector.multi_reduction <add>, %sub3A_125, %reduce_sum3A_126 [0] : vector<1024x1xf32> to vector<1xf32>
    %broadcast_in_dim3A_128 = vector.shape_cast %reduce_sum3A_127 : vector<1xf32> to vector<1x1xf32>
    %mul3A_129 = arith.constant 8.00781243E-4 : f32
    %mul3A_130 = vector.broadcast %mul3A_129 : f32 to vector<1x1xf32>
    %mul3A_131 = arith.mulf %mul3A_130, %broadcast_in_dim3A_128 : vector<1x1xf32>
    %swap3A_132 = arith.constant 0 : index
    %swap3A_133 = arith.constant 0 : index
    %swap3A_134 = vector.load %arg12[%swap3A_132, %swap3A_133] : memref<1x1xf32, #tpu.memory_space<vmem>>, vector<1x1xf32>
    tpu.vector_store %arg12[%swap3A_132, %swap3A_133], %mul3A_131 {strides = array<i32>} : memref<1x1xf32, #tpu.memory_space<vmem>>, vector<1x1xf32>,
    %mul3A_135 = arith.constant 0.333333343 : f32
    %mul3A_136 = vector.broadcast %mul3A_135 : f32 to vector<1024x100xf32>
    %mul3A_137 = arith.mulf %get3A_4, %mul3A_136 : vector<1024x100xf32>
    %reduce_max3A_138 = arith.constant dense<0xFF800000> : vector<1024xf32>
    %reduce_max3A_139 = vector.multi_reduction <maximumf>, %mul3A_137, %reduce_max3A_138 [1] : vector<1024x100xf32> to vector<1024xf32>
    %broadcast_in_dim3A_140 = vector.shape_cast %reduce_max3A_139 : vector<1024xf32> to vector<1024x1xf32>
    %sub3A_141 = vector.broadcast %broadcast_in_dim3A_140 : vector<1024x1xf32> to vector<1024x100xf32>
    %sub3A_142 = arith.subf %mul3A_137, %sub3A_141 : vector<1024x100xf32>
    %exp3A_143 = math.exp %sub3A_142 : vector<1024x100xf32>
    %reduce_sum3A_144 = arith.constant dense<0.000000e+00> : vector<1024xf32>
    %reduce_sum3A_145 = vector.multi_reduction <add>, %exp3A_143, %reduce_sum3A_144 [1] : vector<1024x100xf32> to vector<1024xf32>
    %broadcast_in_dim3A_146 = vector.shape_cast %reduce_sum3A_145 : vector<1024xf32> to vector<1024x1xf32>
    %log3A_147 = math.log %broadcast_in_dim3A_146 : vector<1024x1xf32>
    %add3A_148 = arith.addf %log3A_147, %broadcast_in_dim3A_140 : vector<1024x1xf32>
    %sub3A_149 = vector.broadcast %add3A_148 : vector<1024x1xf32> to vector<1024x100xf32>
    %sub3A_150 = arith.subf %mul3A_137, %sub3A_149 : vector<1024x100xf32>
    %add3A_151 = arith.constant 9.99999996E-13 : f32
    %add3A_152 = vector.broadcast %add3A_151 : f32 to vector<1024x100xf32>
    %add3A_153 = arith.addf %div3A_103, %add3A_152 : vector<1024x100xf32>
    %log3A_154 = math.log %add3A_153 : vector<1024x100xf32>
    %sub3A_155 = arith.subf %log3A_154, %sub3A_150 : vector<1024x100xf32>
    %mul3A_156 = arith.mulf %div3A_103, %sub3A_155 : vector<1024x100xf32>
    %reduce_sum3A_157 = arith.constant dense<0.000000e+00> : vector<1024xf32>
    %reduce_sum3A_158 = vector.multi_reduction <add>, %mul3A_156, %reduce_sum3A_157 [1] : vector<1024x100xf32> to vector<1024xf32>
    %broadcast_in_dim3A_159 = vector.shape_cast %reduce_sum3A_158 : vector<1024xf32> to vector<1024x1xf32>
    %reduce_sum3A_160 = arith.constant dense<0.000000e+00> : vector<1xf32>
    %reduce_sum3A_161 = vector.multi_reduction <add>, %broadcast_in_dim3A_159, %reduce_sum3A_160 [0] : vector<1024x1xf32> to vector<1xf32>
    %broadcast_in_dim3A_162 = vector.shape_cast %reduce_sum3A_161 : vector<1xf32> to vector<1x1xf32>
    %mul3A_163 = arith.constant 0.00158203125 : f32
    %mul3A_164 = vector.broadcast %mul3A_163 : f32 to vector<1x1xf32>
    %mul3A_165 = arith.mulf %mul3A_164, %broadcast_in_dim3A_162 : vector<1x1xf32>
    %swap3A_166 = arith.constant 0 : index
    %swap3A_167 = arith.constant 0 : index
    %swap3A_168 = vector.load %arg13[%swap3A_166, %swap3A_167] : memref<1x1xf32, #tpu.memory_space<vmem>>, vector<1x1xf32>
    tpu.vector_store %arg13[%swap3A_166, %swap3A_167], %mul3A_165 {strides = array<i32>} : memref<1x1xf32, #tpu.memory_space<vmem>>, vector<1x1xf32>,
    %iota3A_169 = tpu.iota {dimensions = array<i32: 1>} : vector<512x1024xi32>
    %get3A_170 = arith.constant 0 : index
    %get3A_171 = arith.constant 0 : index
    %get3A_172 = vector.load %arg1[%get3A_170, %get3A_171] : memref<1024x1xi32, #tpu.memory_space<vmem>>, vector<512x1xi32>
    %get3A_173 = arith.constant 0 : index
    %get3A_174 = arith.constant 0 : index
    %get3A_175 = vector.load %arg2[%get3A_173, %get3A_174] : memref<1x1024xi32, #tpu.memory_space<vmem>>, vector<1x1024xi32>
    %eq3A_176 = vector.broadcast %get3A_172 : vector<512x1xi32> to vector<512x1024xi32>
    %eq3A_177 = vector.broadcast %get3A_175 : vector<1x1024xi32> to vector<512x1024xi32>
    %eq3A_178 = arith.cmpi eq, %eq3A_176, %eq3A_177 : vector<512x1024xi32>
    %jit3A = arith.constant -1 : i32
    %broadcast_in_dim3A_179 = vector.broadcast %jit3A : i32 to vector<512x1024xi32>
    %select_n3A = arith.select %eq3A_178, %iota3A_169, %broadcast_in_dim3A_179 : vector<512x1024xi1>, vector<512x1024xi32>
    %reduce_max3A_180 = arith.constant dense<-2147483648> : vector<512xi32>
    %reduce_max3A_181 = vector.multi_reduction <maxsi>, %select_n3A, %reduce_max3A_180 [1] : vector<512x1024xi32> to vector<512xi32>
    %broadcast_in_dim3A_182 = vector.shape_cast %reduce_max3A_181 : vector<512xi32> to vector<512x1xi32>
    %eq3A_183 = vector.broadcast %broadcast_in_dim3A_182 : vector<512x1xi32> to vector<512x1024xi32>
    %eq3A_184 = arith.cmpi eq, %iota3A_169, %eq3A_183 : vector<512x1024xi32>
    %convert_element_type3A_185 = arith.extui %eq3A_184 : vector<512x1024xi1> to vector<512x1024xi32>
    %convert_element_type3A_186 = arith.sitofp %convert_element_type3A_185 : vector<512x1024xi32> to vector<512x1024xf32>
    %dot_general3A_187 = arith.constant dense<0.000000e+00> : vector<512x128xf32>
    %dot_general3A_188 = tpu.matmul %convert_element_type3A_186, %get3A_1, %dot_general3A_187 {dimension_numbers = #tpu.dot_dimension_numbers<[1], [0], [0], [1], [0, 0, 1, 1], [], []>, precision = #tpu.contract_precision<fp32>, transpose_lhs_hint = false} : vector<512x1024xf32>, vector<1024x128xf32>, vector<512x128xf32> -> vector<512x128xf32>
    %swap3A_189 = arith.constant 0 : index
    %swap3A_190 = arith.constant 0 : index
    %swap3A_191 = vector.load %arg15[%swap3A_189, %swap3A_190] : memref<1024x128xf32, #tpu.memory_space<vmem>>, vector<512x128xf32>
    tpu.vector_store %arg15[%swap3A_189, %swap3A_190], %dot_general3A_188 {strides = array<i32>} : memref<1024x128xf32, #tpu.memory_space<vmem>>, vector<512x128xf32>,
    %dot_general3A_192 = arith.constant dense<0.000000e+00> : vector<512x100xf32>
    %dot_general3A_193 = tpu.matmul %convert_element_type3A_186, %get3A_4, %dot_general3A_192 {dimension_numbers = #tpu.dot_dimension_numbers<[1], [0], [0], [1], [0, 0, 1, 1], [], []>, precision = #tpu.contract_precision<fp32>, transpose_lhs_hint = false} : vector<512x1024xf32>, vector<1024x100xf32>, vector<512x100xf32> -> vector<512x100xf32>
    %swap3A_194 = arith.constant 0 : index
    %swap3A_195 = arith.constant 0 : index
    %swap3A_196 = vector.load %arg18[%swap3A_194, %swap3A_195] : memref<1024x100xf32, #tpu.memory_space<vmem>>, vector<512x100xf32>
    tpu.vector_store %arg18[%swap3A_194, %swap3A_195], %dot_general3A_193 {strides = array<i32>} : memref<1024x100xf32, #tpu.memory_space<vmem>>, vector<512x100xf32>,
    %get3A_197 = arith.constant 512 : index
    %get3A_198 = arith.constant 0 : index
    %get3A_199 = vector.load %arg1[%get3A_197, %get3A_198] : memref<1024x1xi32, #tpu.memory_space<vmem>>, vector<512x1xi32>
    %get3A_200 = arith.constant 0 : index
    %get3A_201 = arith.constant 0 : index
    %get3A_202 = vector.load %arg2[%get3A_200, %get3A_201] : memref<1x1024xi32, #tpu.memory_space<vmem>>, vector<1x1024xi32>
    %eq3A_203 = vector.broadcast %get3A_199 : vector<512x1xi32> to vector<512x1024xi32>
    %eq3A_204 = vector.broadcast %get3A_202 : vector<1x1024xi32> to vector<512x1024xi32>
    %eq3A_205 = arith.cmpi eq, %eq3A_203, %eq3A_204 : vector<512x1024xi32>
    %jit3A_206 = arith.constant -1 : i32
    %broadcast_in_dim3A_207 = vector.broadcast %jit3A_206 : i32 to vector<512x1024xi32>
    %select_n3A_208 = arith.select %eq3A_205, %iota3A_169, %broadcast_in_dim3A_207 : vector<512x1024xi1>, vector<512x1024xi32>
    %reduce_max3A_209 = arith.constant dense<-2147483648> : vector<512xi32>
    %reduce_max3A_210 = vector.multi_reduction <maxsi>, %select_n3A_208, %reduce_max3A_209 [1] : vector<512x1024xi32> to vector<512xi32>
    %broadcast_in_dim3A_211 = vector.shape_cast %reduce_max3A_210 : vector<512xi32> to vector<512x1xi32>
    %eq3A_212 = vector.broadcast %broadcast_in_dim3A_211 : vector<512x1xi32> to vector<512x1024xi32>
    %eq3A_213 = arith.cmpi eq, %iota3A_169, %eq3A_212 : vector<512x1024xi32>
    %convert_element_type3A_214 = arith.extui %eq3A_213 : vector<512x1024xi1> to vector<512x1024xi32>
    %convert_element_type3A_215 = arith.sitofp %convert_element_type3A_214 : vector<512x1024xi32> to vector<512x1024xf32>
    %dot_general3A_216 = arith.constant dense<0.000000e+00> : vector<512x128xf32>
    %dot_general3A_217 = tpu.matmul %convert_element_type3A_215, %get3A_1, %dot_general3A_216 {dimension_numbers = #tpu.dot_dimension_numbers<[1], [0], [0], [1], [0, 0, 1, 1], [], []>, precision = #tpu.contract_precision<fp32>, transpose_lhs_hint = false} : vector<512x1024xf32>, vector<1024x128xf32>, vector<512x128xf32> -> vector<512x128xf32>
    %swap3A_218 = arith.constant 512 : index
    %swap3A_219 = arith.constant 0 : index
    %swap3A_220 = vector.load %arg15[%swap3A_218, %swap3A_219] : memref<1024x128xf32, #tpu.memory_space<vmem>>, vector<512x128xf32>
    tpu.vector_store %arg15[%swap3A_218, %swap3A_219], %dot_general3A_217 {strides = array<i32>} : memref<1024x128xf32, #tpu.memory_space<vmem>>, vector<512x128xf32>,
    %dot_general3A_221 = arith.constant dense<0.000000e+00> : vector<512x100xf32>
    %dot_general3A_222 = tpu.matmul %convert_element_type3A_215, %get3A_4, %dot_general3A_221 {dimension_numbers = #tpu.dot_dimension_numbers<[1], [0], [0], [1], [0, 0, 1, 1], [], []>, precision = #tpu.contract_precision<fp32>, transpose_lhs_hint = false} : vector<512x1024xf32>, vector<1024x100xf32>, vector<512x100xf32> -> vector<512x100xf32>
    %swap3A_223 = arith.constant 512 : index
    %swap3A_224 = arith.constant 0 : index
    %swap3A_225 = vector.load %arg18[%swap3A_223, %swap3A_224] : memref<1024x100xf32, #tpu.memory_space<vmem>>, vector<512x100xf32>
    tpu.vector_store %arg18[%swap3A_223, %swap3A_224], %dot_general3A_222 {strides = array<i32>} : memref<1024x100xf32, #tpu.memory_space<vmem>>, vector<512x100xf32>,
    %scan3A_226 = arith.constant 0 : i32
    %scan3A_227 = arith.constant 1024 : i32
    %scan3A_228 = arith.addi %scan3A_226, %scan3A_227 : i32
    %scan3A_229 = arith.constant 8 : i32
    scf.for %scan3A_239 = %scan3A_226 to %scan3A_228 step %scan3A_229  : i32 {
      %get3A_240 = arith.index_cast %scan3A_239 : i32 to index
      %get3A_241 = memref.load %arg0[%get3A_240] : memref<1024xi32, #tpu.memory_space<smem>>
      %dma_start3A = arith.constant 3 : i32
      %dma_start3A_242 = arith.constant 0 : i32
      %dma_start3A_243 = arith.constant 0 : i32
      %dma_start3A_244 = tpu.memref_slice %arg11[%dma_start3A, %dma_start3A_242, %dma_start3A_243] : memref<4x100000x100xf32, #tpu.memory_space<hbm>> -> memref<1x100000x100xf32, #tpu.memory_space<hbm>>
      %dma_start3A_245 = tpu.memref_squeeze %dma_start3A_244 : memref<1x100000x100xf32, #tpu.memory_space<hbm>> -> memref<100000x100xf32, #tpu.memory_space<hbm>>
      %dma_start3A_246 = arith.constant 0 : i32
      %dma_start3A_247 = tpu.memref_slice %dma_start3A_245[%get3A_241, %dma_start3A_246] : memref<100000x100xf32, #tpu.memory_space<hbm>> -> memref<1x100xf32, #tpu.memory_space<hbm>>
      %dma_start3A_248 = arith.constant 0 : i32
      %dma_start3A_249 = tpu.memref_slice %arg18[%scan3A_239, %dma_start3A_248] : memref<1024x100xf32, #tpu.memory_space<vmem>> -> memref<1x100xf32, #tpu.memory_space<vmem>>
      tpu.enqueue_dma source(%dma_start3A_249 : memref<1x100xf32, #tpu.memory_space<vmem>>) target(%dma_start3A_247 : memref<1x100xf32, #tpu.memory_space<hbm>>) target_semaphore(%arg20 : memref<!tpu.dma_semaphore, #tpu.memory_space<semaphore_mem>>)
      %scan3A_250 = arith.constant 1 : i32
      %scan3A_251 = arith.addi %scan3A_239, %scan3A_250 : i32
      %get3A_252 = arith.index_cast %scan3A_251 : i32 to index
      %get3A_253 = memref.load %arg0[%get3A_252] : memref<1024xi32, #tpu.memory_space<smem>>
      %dma_start3A_254 = arith.constant 3 : i32
      %dma_start3A_255 = arith.constant 0 : i32
      %dma_start3A_256 = arith.constant 0 : i32
      %dma_start3A_257 = tpu.memref_slice %arg11[%dma_start3A_254, %dma_start3A_255, %dma_start3A_256] : memref<4x100000x100xf32, #tpu.memory_space<hbm>> -> memref<1x100000x100xf32, #tpu.memory_space<hbm>>
      %dma_start3A_258 = tpu.memref_squeeze %dma_start3A_257 : memref<1x100000x100xf32, #tpu.memory_space<hbm>> -> memref<100000x100xf32, #tpu.memory_space<hbm>>
      %dma_start3A_259 = arith.constant 0 : i32
      %dma_start3A_260 = tpu.memref_slice %dma_start3A_258[%get3A_253, %dma_start3A_259] : memref<100000x100xf32, #tpu.memory_space<hbm>> -> memref<1x100xf32, #tpu.memory_space<hbm>>
      %dma_start3A_261 = arith.constant 0 : i32
      %dma_start3A_262 = tpu.memref_slice %arg18[%scan3A_251, %dma_start3A_261] : memref<1024x100xf32, #tpu.memory_space<vmem>> -> memref<1x100xf32, #tpu.memory_space<vmem>>
      tpu.enqueue_dma source(%dma_start3A_262 : memref<1x100xf32, #tpu.memory_space<vmem>>) target(%dma_start3A_260 : memref<1x100xf32, #tpu.memory_space<hbm>>) target_semaphore(%arg20 : memref<!tpu.dma_semaphore, #tpu.memory_space<semaphore_mem>>)
      %scan3A_263 = arith.constant 2 : i32
      %scan3A_264 = arith.addi %scan3A_239, %scan3A_263 : i32
      %get3A_265 = arith.index_cast %scan3A_264 : i32 to index
      %get3A_266 = memref.load %arg0[%get3A_265] : memref<1024xi32, #tpu.memory_space<smem>>
      %dma_start3A_267 = arith.constant 3 : i32
      %dma_start3A_268 = arith.constant 0 : i32
      %dma_start3A_269 = arith.constant 0 : i32
      %dma_start3A_270 = tpu.memref_slice %arg11[%dma_start3A_267, %dma_start3A_268, %dma_start3A_269] : memref<4x100000x100xf32, #tpu.memory_space<hbm>> -> memref<1x100000x100xf32, #tpu.memory_space<hbm>>
      %dma_start3A_271 = tpu.memref_squeeze %dma_start3A_270 : memref<1x100000x100xf32, #tpu.memory_space<hbm>> -> memref<100000x100xf32, #tpu.memory_space<hbm>>
      %dma_start3A_272 = arith.constant 0 : i32
      %dma_start3A_273 = tpu.memref_slice %dma_start3A_271[%get3A_266, %dma_start3A_272] : memref<100000x100xf32, #tpu.memory_space<hbm>> -> memref<1x100xf32, #tpu.memory_space<hbm>>
      %dma_start3A_274 = arith.constant 0 : i32
      %dma_start3A_275 = tpu.memref_slice %arg18[%scan3A_264, %dma_start3A_274] : memref<1024x100xf32, #tpu.memory_space<vmem>> -> memref<1x100xf32, #tpu.memory_space<vmem>>
      tpu.enqueue_dma source(%dma_start3A_275 : memref<1x100xf32, #tpu.memory_space<vmem>>) target(%dma_start3A_273 : memref<1x100xf32, #tpu.memory_space<hbm>>) target_semaphore(%arg20 : memref<!tpu.dma_semaphore, #tpu.memory_space<semaphore_mem>>)
      %scan3A_276 = arith.constant 3 : i32
      %scan3A_277 = arith.addi %scan3A_239, %scan3A_276 : i32
      %get3A_278 = arith.index_cast %scan3A_277 : i32 to index
      %get3A_279 = memref.load %arg0[%get3A_278] : memref<1024xi32, #tpu.memory_space<smem>>
      %dma_start3A_280 = arith.constant 3 : i32
      %dma_start3A_281 = arith.constant 0 : i32
      %dma_start3A_282 = arith.constant 0 : i32
      %dma_start3A_283 = tpu.memref_slice %arg11[%dma_start3A_280, %dma_start3A_281, %dma_start3A_282] : memref<4x100000x100xf32, #tpu.memory_space<hbm>> -> memref<1x100000x100xf32, #tpu.memory_space<hbm>>
      %dma_start3A_284 = tpu.memref_squeeze %dma_start3A_283 : memref<1x100000x100xf32, #tpu.memory_space<hbm>> -> memref<100000x100xf32, #tpu.memory_space<hbm>>
      %dma_start3A_285 = arith.constant 0 : i32
      %dma_start3A_286 = tpu.memref_slice %dma_start3A_284[%get3A_279, %dma_start3A_285] : memref<100000x100xf32, #tpu.memory_space<hbm>> -> memref<1x100xf32, #tpu.memory_space<hbm>>
      %dma_start3A_287 = arith.constant 0 : i32
      %dma_start3A_288 = tpu.memref_slice %arg18[%scan3A_277, %dma_start3A_287] : memref<1024x100xf32, #tpu.memory_space<vmem>> -> memref<1x100xf32, #tpu.memory_space<vmem>>
      tpu.enqueue_dma source(%dma_start3A_288 : memref<1x100xf32, #tpu.memory_space<vmem>>) target(%dma_start3A_286 : memref<1x100xf32, #tpu.memory_space<hbm>>) target_semaphore(%arg20 : memref<!tpu.dma_semaphore, #tpu.memory_space<semaphore_mem>>)
      %scan3A_289 = arith.constant 4 : i32
      %scan3A_290 = arith.addi %scan3A_239, %scan3A_289 : i32
      %get3A_291 = arith.index_cast %scan3A_290 : i32 to index
      %get3A_292 = memref.load %arg0[%get3A_291] : memref<1024xi32, #tpu.memory_space<smem>>
      %dma_start3A_293 = arith.constant 3 : i32
      %dma_start3A_294 = arith.constant 0 : i32
      %dma_start3A_295 = arith.constant 0 : i32
      %dma_start3A_296 = tpu.memref_slice %arg11[%dma_start3A_293, %dma_start3A_294, %dma_start3A_295] : memref<4x100000x100xf32, #tpu.memory_space<hbm>> -> memref<1x100000x100xf32, #tpu.memory_space<hbm>>
      %dma_start3A_297 = tpu.memref_squeeze %dma_start3A_296 : memref<1x100000x100xf32, #tpu.memory_space<hbm>> -> memref<100000x100xf32, #tpu.memory_space<hbm>>
      %dma_start3A_298 = arith.constant 0 : i32
      %dma_start3A_299 = tpu.memref_slice %dma_start3A_297[%get3A_292, %dma_start3A_298] : memref<100000x100xf32, #tpu.memory_space<hbm>> -> memref<1x100xf32, #tpu.memory_space<hbm>>
      %dma_start3A_300 = arith.constant 0 : i32
      %dma_start3A_301 = tpu.memref_slice %arg18[%scan3A_290, %dma_start3A_300] : memref<1024x100xf32, #tpu.memory_space<vmem>> -> memref<1x100xf32, #tpu.memory_space<vmem>>
      tpu.enqueue_dma source(%dma_start3A_301 : memref<1x100xf32, #tpu.memory_space<vmem>>) target(%dma_start3A_299 : memref<1x100xf32, #tpu.memory_space<hbm>>) target_semaphore(%arg20 : memref<!tpu.dma_semaphore, #tpu.memory_space<semaphore_mem>>)
      %scan3A_302 = arith.constant 5 : i32
      %scan3A_303 = arith.addi %scan3A_239, %scan3A_302 : i32
      %get3A_304 = arith.index_cast %scan3A_303 : i32 to index
      %get3A_305 = memref.load %arg0[%get3A_304] : memref<1024xi32, #tpu.memory_space<smem>>
      %dma_start3A_306 = arith.constant 3 : i32
      %dma_start3A_307 = arith.constant 0 : i32
      %dma_start3A_308 = arith.constant 0 : i32
      %dma_start3A_309 = tpu.memref_slice %arg11[%dma_start3A_306, %dma_start3A_307, %dma_start3A_308] : memref<4x100000x100xf32, #tpu.memory_space<hbm>> -> memref<1x100000x100xf32, #tpu.memory_space<hbm>>
      %dma_start3A_310 = tpu.memref_squeeze %dma_start3A_309 : memref<1x100000x100xf32, #tpu.memory_space<hbm>> -> memref<100000x100xf32, #tpu.memory_space<hbm>>
      %dma_start3A_311 = arith.constant 0 : i32
      %dma_start3A_312 = tpu.memref_slice %dma_start3A_310[%get3A_305, %dma_start3A_311] : memref<100000x100xf32, #tpu.memory_space<hbm>> -> memref<1x100xf32, #tpu.memory_space<hbm>>
      %dma_start3A_313 = arith.constant 0 : i32
      %dma_start3A_314 = tpu.memref_slice %arg18[%scan3A_303, %dma_start3A_313] : memref<1024x100xf32, #tpu.memory_space<vmem>> -> memref<1x100xf32, #tpu.memory_space<vmem>>
      tpu.enqueue_dma source(%dma_start3A_314 : memref<1x100xf32, #tpu.memory_space<vmem>>) target(%dma_start3A_312 : memref<1x100xf32, #tpu.memory_space<hbm>>) target_semaphore(%arg20 : memref<!tpu.dma_semaphore, #tpu.memory_space<semaphore_mem>>)
      %scan3A_315 = arith.constant 6 : i32
      %scan3A_316 = arith.addi %scan3A_239, %scan3A_315 : i32
      %get3A_317 = arith.index_cast %scan3A_316 : i32 to index
      %get3A_318 = memref.load %arg0[%get3A_317] : memref<1024xi32, #tpu.memory_space<smem>>
      %dma_start3A_319 = arith.constant 3 : i32
      %dma_start3A_320 = arith.constant 0 : i32
      %dma_start3A_321 = arith.constant 0 : i32
      %dma_start3A_322 = tpu.memref_slice %arg11[%dma_start3A_319, %dma_start3A_320, %dma_start3A_321] : memref<4x100000x100xf32, #tpu.memory_space<hbm>> -> memref<1x100000x100xf32, #tpu.memory_space<hbm>>
      %dma_start3A_323 = tpu.memref_squeeze %dma_start3A_322 : memref<1x100000x100xf32, #tpu.memory_space<hbm>> -> memref<100000x100xf32, #tpu.memory_space<hbm>>
      %dma_start3A_324 = arith.constant 0 : i32
      %dma_start3A_325 = tpu.memref_slice %dma_start3A_323[%get3A_318, %dma_start3A_324] : memref<100000x100xf32, #tpu.memory_space<hbm>> -> memref<1x100xf32, #tpu.memory_space<hbm>>
      %dma_start3A_326 = arith.constant 0 : i32
      %dma_start3A_327 = tpu.memref_slice %arg18[%scan3A_316, %dma_start3A_326] : memref<1024x100xf32, #tpu.memory_space<vmem>> -> memref<1x100xf32, #tpu.memory_space<vmem>>
      tpu.enqueue_dma source(%dma_start3A_327 : memref<1x100xf32, #tpu.memory_space<vmem>>) target(%dma_start3A_325 : memref<1x100xf32, #tpu.memory_space<hbm>>) target_semaphore(%arg20 : memref<!tpu.dma_semaphore, #tpu.memory_space<semaphore_mem>>)
      %scan3A_328 = arith.constant 7 : i32
      %scan3A_329 = arith.addi %scan3A_239, %scan3A_328 : i32
      %get3A_330 = arith.index_cast %scan3A_329 : i32 to index
      %get3A_331 = memref.load %arg0[%get3A_330] : memref<1024xi32, #tpu.memory_space<smem>>
      %dma_start3A_332 = arith.constant 3 : i32
      %dma_start3A_333 = arith.constant 0 : i32
      %dma_start3A_334 = arith.constant 0 : i32
      %dma_start3A_335 = tpu.memref_slice %arg11[%dma_start3A_332, %dma_start3A_333, %dma_start3A_334] : memref<4x100000x100xf32, #tpu.memory_space<hbm>> -> memref<1x100000x100xf32, #tpu.memory_space<hbm>>
      %dma_start3A_336 = tpu.memref_squeeze %dma_start3A_335 : memref<1x100000x100xf32, #tpu.memory_space<hbm>> -> memref<100000x100xf32, #tpu.memory_space<hbm>>
      %dma_start3A_337 = arith.constant 0 : i32
      %dma_start3A_338 = tpu.memref_slice %dma_start3A_336[%get3A_331, %dma_start3A_337] : memref<100000x100xf32, #tpu.memory_space<hbm>> -> memref<1x100xf32, #tpu.memory_space<hbm>>
      %dma_start3A_339 = arith.constant 0 : i32
      %dma_start3A_340 = tpu.memref_slice %arg18[%scan3A_329, %dma_start3A_339] : memref<1024x100xf32, #tpu.memory_space<vmem>> -> memref<1x100xf32, #tpu.memory_space<vmem>>
      tpu.enqueue_dma source(%dma_start3A_340 : memref<1x100xf32, #tpu.memory_space<vmem>>) target(%dma_start3A_338 : memref<1x100xf32, #tpu.memory_space<hbm>>) target_semaphore(%arg20 : memref<!tpu.dma_semaphore, #tpu.memory_space<semaphore_mem>>)
    }
    %scan3A_230 = arith.constant 1024 : i32
    %dma_wait3A_231 = arith.constant 3 : i32
    %dma_wait3A_232 = arith.constant 0 : i32
    %dma_wait3A_233 = arith.constant 0 : i32
    %dma_wait3A_234 = tpu.memref_slice %arg11[%dma_wait3A_231, %dma_wait3A_232, %dma_wait3A_233] : memref<4x100000x100xf32, #tpu.memory_space<hbm>> -> memref<1x100000x100xf32, #tpu.memory_space<hbm>>
    %dma_wait3A_235 = tpu.memref_squeeze %dma_wait3A_234 : memref<1x100000x100xf32, #tpu.memory_space<hbm>> -> memref<100000x100xf32, #tpu.memory_space<hbm>>
    %dma_wait3A_236 = arith.constant 0 : i32
    %dma_wait3A_237 = arith.constant 0 : i32
    %dma_wait3A_238 = tpu.memref_slice %dma_wait3A_235[%dma_wait3A_236, %dma_wait3A_237] : memref<100000x100xf32, #tpu.memory_space<hbm>> -> memref<1024x100xf32, #tpu.memory_space<hbm>>
    tpu.wait_dma2 semaphore(%arg20 : memref<!tpu.dma_semaphore, #tpu.memory_space<semaphore_mem>>) src(%arg18 : memref<1024x100xf32, #tpu.memory_space<vmem>>) dst(%dma_wait3A_238 : memref<1024x100xf32, #tpu.memory_space<hbm>>)
    return
  }
}

</mosaic_0001>

<sc_bundles>
// kernel: kernel.10.cloned.1.call-start
scs
__scs_entry_jumppad:
0x0: {  	(pc) =	sbr.rel $0x88, $3  }
0x1: {  	(tag) =	ssettag $0x0;
	lr =	simm.s32 $0x1  }
0x2: {  	[smem:$0x3F97] =	sst lr;
	_ =	strace $0xD0000000  }
0x3: {  	_ = 	snop  }
0x4: {  	_ = 	snop  }
0x5: {  	_ = 	snop  }
0x6: {  	_ = 	snop  }
0x7: {  	_ = 	snop  }
__scs_overlays_trampoline_lowered:
0x8: {  	[smem:$0x3FA6] =	sst s0  }
0x9: {  	[smem:$0x3FA7] =	sst s1  }
0xa: {  	[smem:$0x3FA8] =	sst s2  }
0xb: {  	[smem:$0x3FA9] =	sst s3  }
0xc: {  	[smem:$0x3FAA] =	sst s4  }
0xd: {  	[smem:$0x3FAB] =	sst s5  }
0xe: {  	[smem:$0x3FAC] =	sst s6  }
0xf: {  	[smem:$0x3FAD] =	sst s7  }
0x10: {  	[smem:$0x3FAE] =	sst s8  }
0x11: {  	[smem:$0x3FAF] =	sst s9;
	s0 =	simm.s32 @!p0 $0x0  }
0x12: {  	s1 =	sld [smem:$0x3F95];
	s0 =	simm.s32 @p0 $0x1  }
0x13: {  	[smem:$0x3FB0] =	sst s0;
	s0 =	simm.s32 @!p1 $0x0  }
0x14: {  	s2 =	sld [smem:$0x3F94];
	s0 =	simm.s32 @p1 $0x1  }
0x15: {  	[smem:$0x3FB1] =	sst s0;
	s0 =	simm.s32 @!p2 $0x0  }
0x16: {  	s3 =	sld [smem:$0x3FDB];
	s0 =	simm.s32 @p2 $0x1  }
0x17: {  	s4 =	simm.s32 $0x1BF5;
	[smem:$0x3FB3] =	sst s0  }
0x18: {  	s0 =	sld [smem:$0x3F96];
	_ =	swait.ge [sflag:s4], $0x0  }
0x19: {  	s7 =	sld [smem:$0x3F97]  }
0x1a: {  	s8 =	sadd.s32 $0xFFFFE003, lr  }
0x1b: {  	s9 =	sadd.s32 $0xFFFFFEF7, lr;
	s5 =	simm.s32 $0xFFFFFFFF;
	p2 =	slt.u32 s8, $0xFFFFF086  }
0x1c: {  	p1 =	slt.u32 s9, $0xF7A;
	s5 =	simm.s32 @!p2 $0x0  }
0x1d: {  	s5 =	simm.s32 @p1 $0x1;
	p0 =	seq.s32 s7, s2  }
0x1e: {  	s7 =	smul.u32 @!p0 $0xF7A, s2;
	p2 =	seq.s32 @!p0 s5, $0x0  }
0x1f: {  	s9 =	smul.u32 $0xF7A, s1;
	s8 =	simm.s32 @!p0 $0x1BF5;
	p2 =	por !p2, p0  }
0x20: {  	[sflag:s8] =	ssyncset.s32 @!p0 $0xFFFFF086;
	s6 =	sadd.s32 @!p0 s3, s7;
	s7 =	simm.s32 @!p0 $0x108  }
0x21: {  	s3 =	sadd.s32 s3, s9;
	s6 =	sadd.s32 @!p0 $0x88, s6;
	s7 =	simm.s32 @p2 $0x1082  }
0x22: {  	[simem:s7], [sflag:s8] =	dma.local @!p0 [hbm:s6], $0xF7A  }
0x23: {  	s9 =	sor.u32 $0xD0000000, s2;
	s6 =	simm.s32 $0x108;
	_ =	swait.ge @!p0 [sflag:s8], $0x0  }
0x24: {  	s3 =	sadd.s32 $0x88, s3;
	s6 =	simm.s32 @!p1 $0x1082;
	[sflag:s4] =	ssyncset.s32 $0xFFFFF086  }
0x25: {  	[simem:s6], [sflag:s4] =	dma.local [hbm:s3], $0xF7A  }
0x26: {  	[smem:$0x3F97] =	sst s1;
	(tag) =	ssettag s2;
	_ =	strace s9  }
0x27: {  	s1 =	sld [smem:$0x3FA7]  }
0x28: {  	s2 =	sld [smem:$0x3FA8]  }
0x29: {  	s4 =	sld [smem:$0x3FAA]  }
0x2a: {  	p0 =	seq.s32 s5, $0x0;
	s5 =	sld [smem:$0x3FAB]  }
0x2b: {  	s6 =	sld [smem:$0x3FAC]  }
0x2c: {  	s7 =	sld [smem:$0x3FAD]  }
0x2d: {  	s3 =	simm.s32 $0x108;
	s8 =	sld [smem:$0x3FAE]  }
0x2e: {  	s3 =	simm.s32 @!p0 $0x1082;
	s9 =	sld [smem:$0x3FAF]  }
0x2f: {  	lr =	sadd.s32 s0, s3;
	s0 =	sld [smem:$0x3FA6]  }
0x30: {  	s3 =	sld [smem:$0x3FA9]  }
0x31: {  	[smem:$0x3FB2] =	sst s10  }
0x32: {  	s10 =	sld [smem:$0x3FB0];
	_ =	sdelay $0x3  }
0x33: {  	p0 =	seq.s32 s10, $0x1;
	s10 =	sld [smem:$0x3FB2];
	_ =	sdelay $0x3  }
0x34: {  	[smem:$0x3FB2] =	sst s10  }
0x35: {  	s10 =	sld [smem:$0x3FB1];
	_ =	sdelay $0x3  }
0x36: {  	p1 =	seq.s32 s10, $0x1;
	s10 =	sld [smem:$0x3FB2];
	_ =	sdelay $0x3  }
0x37: {  	[smem:$0x3FB2] =	sst s10  }
0x38: {  	s10 =	sld [smem:$0x3FB3]  }
0x39: {  	_ = 	snop;
	(pc) =	sbr.ind lr, $3  }
0x3a: {  	_ = 	snop  }
0x3b: {  	_ = 	snop  }
0x3c: {  	p2 =	seq.s32 s10, $0x1;
	s10 =	sld [smem:$0x3FB2]  }
0x3d: {  	_ =	shalt  }
0x3e: {  	_ =	shalt  }
0x3f: {  	_ =	shalt  }
0x40: {  	_ =	shalt  }
0x41: {  	_ =	shalt  }
0x42: {  	_ =	shalt  }
0x43: {  	_ =	shalt  }
0x44: {  	_ =	shalt  }
0x45: {  	_ =	shalt  }
0x46: {  	_ =	shalt  }
0x47: {  	_ =	shalt  }
0x48: {  	_ =	shalt  }
0x49: {  	_ =	shalt  }
0x4a: {  	_ =	shalt  }
0x4b: {  	_ =	shalt  }
0x4c: {  	_ =	shalt  }
0x4d: {  	_ =	shalt  }
0x4e: {  	_ =	shalt  }
0x4f: {  	_ =	shalt  }
0x50: {  	_ =	shalt  }
0x51: {  	_ =	shalt  }
0x52: {  	_ =	shalt  }
0x53: {  	_ =	shalt  }
0x54: {  	_ =	shalt  }
0x55: {  	_ =	shalt  }
0x56: {  	_ =	shalt  }
0x57: {  	_ =	shalt  }
0x58: {  	_ =	shalt  }
0x59: {  	_ =	shalt  }
0x5a: {  	_ =	shalt  }
0x5b: {  	_ =	shalt  }
0x5c: {  	_ =	shalt  }
0x5d: {  	_ =	shalt  }
0x5e: {  	_ =	shalt  }
0x5f: {  	_ =	shalt  }
0x60: {  	_ =	shalt  }
0x61: {  	_ =	shalt  }
0x62: {  	_ =	shalt  }
0x63: {  	_ =	shalt  }
0x64: {  	_ =	shalt  }
0x65: {  	_ =	shalt  }
0x66: {  	_ =	shalt  }
0x67: {  	_ =	shalt  }
0x68: {  	_ =	shalt  }
0x69: {  	_ =	shalt  }
0x6a: {  	_ =	shalt  }
0x6b: {  	_ =	shalt  }
0x6c: {  	_ =	shalt  }
0x6d: {  	_ =	shalt  }
0x6e: {  	_ =	shalt  }
0x6f: {  	_ =	shalt  }
0x70: {  	_ =	shalt  }
0x71: {  	_ =	shalt  }
0x72: {  	_ =	shalt  }
0x73: {  	_ =	shalt  }
0x74: {  	_ =	shalt  }
0x75: {  	_ =	shalt  }
0x76: {  	_ =	shalt  }
0x77: {  	_ =	shalt  }
0x78: {  	_ =	shalt  }
0x79: {  	_ =	shalt  }
0x7a: {  	_ =	shalt  }
0x7b: {  	_ =	shalt  }
0x7c: {  	_ =	shalt  }
0x7d: {  	_ =	shalt  }
0x7e: {  	_ =	shalt  }
0x7f: {  	_ =	shalt  }
0x80: {  	_ =	shalt  }
0x81: {  	_ =	shalt  }
0x82: {  	_ =	shalt  }
0x83: {  	_ =	shalt  }
0x84: {  	_ =	shalt  }
0x85: {  	_ =	shalt  }
0x86: {  	_ =	shalt  }
0x87: {  	_ =	shalt  }
.Lfunc_end0:
.L_simem_size_0:
called_computation.1_lowered:
.L_overlay_start_0:
0x88: {  	s2 =	sld [smem:$0x3FD9]  }
0x89: {  	s3 =	sld [smem:$0x3FFE];
	_ =	sdelay $0x1  }
0x8a: {  	s1 =	srdreg.scid  }
0x8b: {  	s0 =	sand.u32 $0x1, s1  }
0x8c: {  	s15 =	sshll.u32 s0, $0xA;
	s2 =	sadd.s32 s3, s2  }
0x8d: {  	s2 =	sadd.s32 s2, s15  }
0x8e: {  	[smem:$0x3FBE] =	sst s2  }
0x8f: {  	_ = 	snop  }
0x90: {  	s2 =	sld [smem:$0x3FD0];
	_ =	sdelay $0x1  }
0x91: {  	s16 =	sld [smem:$0x3FC9]  }
0x92: {  	s5 =	simm.s32 $0xB;
	s6 =	simm.s32 $0x10;
	s4 =	sld [smem:$0x3FC5]  }
0x93: {  	[smem:s6], [sflag:s5] =	dma.local [hbm:s2], $0x1  }
0x94: {  	_ =	swait.eq [sflag:s5], $0x1  }
0x95: {  	[sflag:s5] =	ssyncset.done $0x0  }
0x96: {  	[sflag:s5] =	ssyncadd.s32 $0xFFFFFFFF  }
0x97: {  	s17 =	sld [smem:$0x14];
	(tm) =	ssettm $0x1  }
0x98: {  	s18 =	sld [smem:$0x3FFB];
	_ =	sdelay $0x3  }
0x99: {  	_ =	strace s18  }
0x9a: {  	s5 =	sld [smem:$0x3FFC];
	_ =	sdelay $0x3  }
0x9b: {  	_ =	strace s5  }
0x9c: {  	s5 =	sld [smem:$0x3FFD];
	_ =	sdelay $0x3  }
0x9d: {  	_ =	strace s5  }
0x9e: {  	_ =	strace $0x8FFFFFFF  }
0x9f: {  	s19 =	sld [smem:$0x3FDB];
	_ =	sdelay $0x1  }
0xa0: {  	s20 =	simm.s32 $_scs_section_size  }
0xa1: {  	s7 =	simm.s32 $_size__tile_overlayer_lowered;
	s8 =	simm.s32 $_tile_overlayer_lowered  }
0xa2: {  	s23 =	simm.s32 $0x1BFF;
	s22 =	sshll.u32 s8, $0x1;
	s5 =	sadd.s32 s20, s19  }
0xa3: {  	s9 =	simm.s32 $0x0;
	s21 =	sshll.u32 s7, $0x1;
	s7 =	sadd.s32 s22, s5  }
0xa4: {  	[timem:s9], [sflag:s23] =	dma.local [hbm:s7], s21  }
0xa5: {  	_ =	swait.ge [sflag:s23], s21  }
0xa6: {  	s6 =	ssub.s32 $0x0, s21;
	[sflag:s23] =	ssyncset.done $0x0  }
0xa7: {  	[sflag:s23] =	ssyncadd.s32 s6;
	_ =	sdelay $0x1  }
0xa8: {  	s24 =	simm.s32 $0x1B8B  }
0xa9: {  	_ =	swait.ge [sflag:s24], $0x1  }
0xaa: {  	[sflag:s24] =	ssyncset.done $0x0  }
0xab: {  	s25 =	simm.s32 $0x1B8E;
	[sflag:s24] =	ssyncadd.s32 $0xFFFFFFFF  }
0xac: {  	s26 =	simm.s32 $execute0_lowered;
	[smem:$0x3FD2] =	sst s25  }
0xad: {  	s6 =	sshll.u32 s26, $0x1;
	_ =	strace $0x80000046;
	[dreg:$0x1] =	wrdreg $0xFFFFFFFF  }
0xae: {  	s28 =	simm.s32 $_size_execute0_lowered;
	s5 =	sadd.s32 s5, s6;
	[dreg:$0x0] =	wrdreg $0x0  }
0xaf: {  	s6 =	sshll.u32 s28, $0x1;
	[dreg:$0x2] =	wrdreg s5  }
0xb0: {  	[dreg:$0x3] =	wrdreg s6  }
0xb1: {  	[dreg:$0x4] =	wrdreg $0xC0  }
0xb2: {  	_ =	task [dreg:s9], $0x5FFFF  }
0xb3: {  	[dreg:$0x1] =	wrdreg $0xFFFFFFFF  }
0xb4: {  	[dreg:$0x0] =	wrdreg $0x60  }
0xb5: {  	[dreg:$0x2] =	wrdreg s4  }
0xb6: {  	[dreg:$0x3] =	wrdreg s16  }
0xb7: {  	[dreg:$0x4] =	wrdreg s17  }
0xb8: {  	[dreg:$0x5] =	wrdreg $0xA  }
0xb9: {  	_ =	task.clear_ibuf [dreg:s9], $0x6FFFF;
	_ =	strace $0x90000046  }
0xba: {  	s29 =	simm.s32 $0xA;
	_ =	strace $0x80000048  }
0xbb: {  	_ =	swait.ge [sflag:s29], $0x1  }
0xbc: {  	[sflag:s29] =	ssyncadd.s32 $0xFFFFFFFF  }
0xbd: {  	_ =	strace $0x90000048  }
0xbe: {  	_ =	sfence  }
0xbf: {  	s30 =	sld [smem:$0x0];
	_ =	sdelay $0x2  }
0xc0: {  	s31 =	sshll.u32 s1, $0xD;
	s1 =	sshrl.u32 s1, $0x2  }
0xc1: {  	s3 =	sand.u32 $0x4000, s31;
	s1 =	sadd.s32 s1, s30  }
0xc2: {  	s0 =	sor.u32 s3, s0;
	s1 =	sshll.u32 s1, $0x11  }
0xc3: {  	s0 =	sor.u32 s1, s0  }
0xc4: {  	s0 =	sadd.s32 $0x8F2B, s0  }
0xc5: {  	[sflag:s0] =	ssyncadd.remote.s32 $0x1  }
0xc6: {  	_ =	sfence.sel $0xFFFF  }
0xc7: {  	[dreg:$0x0] =	wrdreg $0xFFFFFFFF;
	(pc) =	sbr.abs _section_cstart, $3  }
0xc8: {  	[dreg:$0x1] =	wrdreg $0xFFFFFFFF  }
0xc9: {  	_ =	task.clear_ibuf [dreg:s9], $0x2FFFF;
	_ =	strace $0x9FFFFFFF  }
0xca: {  	(tm) =	ssettm $0x7FFFFFFF  }
0xcb: {  	_ =	shalt  }
tec
execute0_lowered:
.L_overlay_start_1:
0x0: {  	(tag) =	ssettag $0x1  }
0x1: {  	s1 =	rddreg [dreg:$0x0];
	s2 =	srdreg.scid  }
0x2: {  	s4 =	rddreg [dreg:$0x1];
	s0 =	stileid.u32;
	s12 =	sand.u32 $0x1, s2  }
0x3: {  	s9 =	rddreg [dreg:$0x2];
	s5 =	sshll.u32 s0, $0x6;
	s6 =	sshll.u32 s12, $0x5  }
0x4: {  	s3 =	simm.s32 $0x0;
	s2 =	rddreg [dreg:$0x3];
	s10 =	sor.u32 s6, s5  }
0x5: {  	[smem:$0x7FF] =	sst s3;
	s5 =	sshrl.u32 s10, $0x3  }
0x6: {  	_ =	strace $0x80000047;
	s5 =	sadd.s32 s4, s5;
	s4 =	simm.s32 $0x2  }
0x7: {  	[tilespmem:s3], [sflag:$0x2] =	stream.linear.gather [hbm4b:s5+s3], $0x20, $0x38;
	[tilespmem:$0x1080] =	vst v63  }
0x8: {  	_ =	swait.ge [sflag:s4], $0x20  }
0x9: {  	s7 =	simm.s32 $0x80;
	[sflag:s4] =	ssyncset.done $0x0  }
0xa: {  	s8 =	simm.s32 $0x1;
	s6 =	simm.s32 $0x20;
	[sflag:s4] =	ssyncadd.s32 $0xFFFFFFE0  }
0xb: {  	[tilespmem:s7], [sflag:$0x1] =	stream.indirect.gather [hbm4b:s1+s6], $0x80, s3, s6, $0xb8;
	[tilespmem:$0x1080] =	vst v63  }
0xc: {  	_ =	swait.ge [sflag:s8], $0x1000  }
0xd: {  	s10 =	sshll.u32 s10, $0x4;
	[sflag:s8] =	ssyncset.done $0x0  }
0xe: {  	s9 =	sadd.s32 s9, s10;
	[sflag:s8] =	ssyncadd.s32 $0xFFFFF000  }
0xf: {  	[hbm4b:s9+s3] =	stream.linear.scatter [tilespmem:s7], [sflag:$0x2], $0x1000, $0x38;
	[tilespmem:$0x1080] =	vst v63  }
0x10: {  	_ =	swait.ge [sflag:s4], $0x1000  }
0x11: {  	[sflag:s4] =	ssyncset.done $0x0  }
0x12: {  	s10 =	sadd.s32 $0x186A00, s1;
	[sflag:s4] =	ssyncadd.s32 $0xFFFFF000  }
0x13: {  	[tilespmem:s7], [sflag:$0x1] =	stream.indirect.gather [hbm4b:s10+s6], $0x80, s3, s6, $0xb8;
	[tilespmem:$0x1080] =	vst v63  }
0x14: {  	_ =	swait.ge [sflag:s8], $0x1000  }
0x15: {  	[sflag:s8] =	ssyncset.done $0x0  }
0x16: {  	s13 =	ssub.s32 $0x2, s12;
	s11 =	sadd.s32 $0x4000, s9;
	[sflag:s8] =	ssyncadd.s32 $0xFFFFF000  }
0x17: {  	[hbm4b:s11+s3] =	stream.linear.scatter [tilespmem:s7], [sflag:$0x2], $0x1000, $0x38;
	[tilespmem:$0x1080] =	vst v63  }
0x18: {  	s14 =	sshrl.u32 s13, $0x1;
	_ =	swait.ge [sflag:s4], $0x1000  }
0x19: {  	s14 =	ssub.s32 s13, s14;
	[sflag:s4] =	ssyncset.done $0x0  }
0x1a: {  	s12 =	sadd.s32 $0x30D400, s1;
	s14 =	smax.u32 s14, $0x1;
	[sflag:s4] =	ssyncadd.s32 $0xFFFFF000  }
0x1b: {  	[tilespmem:s7], [sflag:$0x1] =	stream.indirect.gather [hbm4b:s12+s6], $0x80, s3, s6, $0xb8;
	[tilespmem:$0x1080] =	vst v63  }
0x1c: {  	p0 =	sne.s32 s14, $0x1;
	_ =	swait.ge [sflag:s8], $0x1000  }
.Ltmp0:
0x1d: {  	[sflag:s8] =	ssyncset.done $0x0;
	(pc) =	sbr.rel @!p0 .LBB2_2-.Ltmp0, $4  }
0x1e: {  	s13 =	sadd.s32 $0x8000, s9;
	[sflag:s8] =	ssyncadd.s32 $0xFFFFF000  }
0x1f: {  	[hbm4b:s13+s3] =	stream.linear.scatter [tilespmem:s7], [sflag:$0x2], $0x1000, $0x38;
	[tilespmem:$0x1080] =	vst v63  }
0x20: {  	_ =	swait.ge [sflag:s4], $0x1000  }
0x21: {  	s14 =	sadd.s32 $0xFFFFFFFF, s14;
	[sflag:s4] =	ssyncset.done $0x0  }
.LBB2_1:
0x22: {  	p0 =	sne.s32 s14, $0x1;
	s14 =	sadd.s32 $0xFFFFFFFF, s14;
	[sflag:s4] =	ssyncadd.s32 $0xFFFFF000  }
0x23: {  	[tilespmem:s3], [sflag:$0x2] =	stream.linear.gather [hbm4b:s5+s3], $0x20, $0x38;
	[tilespmem:$0x1080] =	vst v63  }
0x24: {  	_ =	swait.ge [sflag:s4], $0x20  }
0x25: {  	[sflag:s4] =	ssyncset.done $0x0  }
0x26: {  	[sflag:s4] =	ssyncadd.s32 $0xFFFFFFE0  }
0x27: {  	[tilespmem:s7], [sflag:$0x1] =	stream.indirect.gather [hbm4b:s1+s6], $0x80, s3, s6, $0xb8;
	[tilespmem:$0x1080] =	vst v63  }
0x28: {  	_ =	swait.ge [sflag:s8], $0x1000  }
0x29: {  	[sflag:s8] =	ssyncset.done $0x0  }
0x2a: {  	[sflag:s8] =	ssyncadd.s32 $0xFFFFF000  }
0x2b: {  	[hbm4b:s9+s3] =	stream.linear.scatter [tilespmem:s7], [sflag:$0x2], $0x1000, $0x38;
	[tilespmem:$0x1080] =	vst v63  }
0x2c: {  	_ =	swait.ge [sflag:s4], $0x1000  }
0x2d: {  	[sflag:s4] =	ssyncset.done $0x0  }
0x2e: {  	[sflag:s4] =	ssyncadd.s32 $0xFFFFF000  }
0x2f: {  	[tilespmem:s7], [sflag:$0x1] =	stream.indirect.gather [hbm4b:s10+s6], $0x80, s3, s6, $0xb8;
	[tilespmem:$0x1080] =	vst v63  }
0x30: {  	_ =	swait.ge [sflag:s8], $0x1000  }
0x31: {  	[sflag:s8] =	ssyncset.done $0x0  }
0x32: {  	[sflag:s8] =	ssyncadd.s32 $0xFFFFF000  }
0x33: {  	[hbm4b:s11+s3] =	stream.linear.scatter [tilespmem:s7], [sflag:$0x2], $0x1000, $0x38;
	[tilespmem:$0x1080] =	vst v63  }
0x34: {  	_ =	swait.ge [sflag:s4], $0x1000  }
0x35: {  	[sflag:s4] =	ssyncset.done $0x0  }
0x36: {  	[sflag:s4] =	ssyncadd.s32 $0xFFFFF000  }
0x37: {  	[tilespmem:s7], [sflag:$0x1] =	stream.indirect.gather [hbm4b:s12+s6], $0x80, s3, s6, $0xb8;
	[tilespmem:$0x1080] =	vst v63  }
0x38: {  	_ =	swait.ge [sflag:s8], $0x1000  }
.Ltmp1:
0x39: {  	[sflag:s8] =	ssyncset.done $0x0;
	(pc) =	sbr.rel @p0 .LBB2_1-.Ltmp1, $4  }
0x3a: {  	[sflag:s8] =	ssyncadd.s32 $0xFFFFF000  }
0x3b: {  	[hbm4b:s13+s3] =	stream.linear.scatter [tilespmem:s7], [sflag:$0x2], $0x1000, $0x38;
	[tilespmem:$0x1080] =	vst v63  }
0x3c: {  	_ =	swait.ge [sflag:s4], $0x1000  }
0x3d: {  	[sflag:s4] =	ssyncset.done $0x0  }
.LBB2_2:
0x3e: {  	[sflag:s4] =	ssyncadd.s32 $0xFFFFF000  }
0x3f: {  	_ =	sfence.sel $0x180000  }
0x40: {  	[bflag:$0x0] =	sbarrier.arrive $0xFFFF  }
0x41: {  	p0 =	sne.s32 s0, $0x0;
	_ =	strace $0x90000047  }
0x42: {  	s0 =	sadd.s32 @!p0 $0x100000, s2;
	[bflag:$0x2] =	sbarrier.arrive $0xFFFF  }
0x43: {  	[sflag:s0] =	ssyncadd.tile.s32 @!p0 $0x1;
	_ =	shalt  }
.Lfunc_end2:
_tile_overlayer_lowered:
.L_overlay_start_2:
0x44: {  	(tag) =	ssettag $0x2  }
0x45: {  	s0 =	rddreg [dreg:$0x0];
	s2 =	stileid.u32  }
0x46: {  	s1 =	rddreg [dreg:$0x1];
	p0 =	sne.s32 s2, $0x0  }
0x47: {  	s3 =	rddreg [dreg:$0x2];
	[bflag:$0x3] =	sbarrier.arrive $0xFFFF;
	s2 =	simm.s32 @!p0 $0x1C02  }
0x48: {  	[timem:s3], [sflag:s2] =	dma.local @!p0 [hbm:s0], s1  }
0x49: {  	s0 =	simm.s32 @!p0 $0x2  }
0x4a: {  	_ =	swait.ge @!p0 [sflag:s0], s1  }
0x4b: {  	s1 =	ssub.s32 @!p0 $0x0, s1;
	[sflag:s0] =	ssyncset.done @!p0 $0x0  }
0x4c: {  	[sflag:s0] =	ssyncadd.s32 @!p0 s1  }
0x4d: {  	[bflag:$0x3] =	sbarrier.arrive $0xFFFF  }
0x4e: {  	_ =	shalt  }

// kernel: kernel.13.cloned.1.call-start
scs
__scs_entry_jumppad:
0x0: {  	(pc) =	sbr.rel $0x88, $3  }
0x1: {  	(tag) =	ssettag $0x0;
	lr =	simm.s32 $0x1  }
0x2: {  	[smem:$0x3F97] =	sst lr;
	_ =	strace $0xD0000000  }
0x3: {  	_ = 	snop  }
0x4: {  	_ = 	snop  }
0x5: {  	_ = 	snop  }
0x6: {  	_ = 	snop  }
0x7: {  	_ = 	snop  }
__scs_overlays_trampoline_lowered:
0x8: {  	[smem:$0x3FA6] =	sst s0  }
0x9: {  	[smem:$0x3FA7] =	sst s1  }
0xa: {  	[smem:$0x3FA8] =	sst s2  }
0xb: {  	[smem:$0x3FA9] =	sst s3  }
0xc: {  	[smem:$0x3FAA] =	sst s4  }
0xd: {  	[smem:$0x3FAB] =	sst s5  }
0xe: {  	[smem:$0x3FAC] =	sst s6  }
0xf: {  	[smem:$0x3FAD] =	sst s7  }
0x10: {  	[smem:$0x3FAE] =	sst s8  }
0x11: {  	[smem:$0x3FAF] =	sst s9;
	s0 =	simm.s32 @!p0 $0x0  }
0x12: {  	s1 =	sld [smem:$0x3F95];
	s0 =	simm.s32 @p0 $0x1  }
0x13: {  	[smem:$0x3FB0] =	sst s0;
	s0 =	simm.s32 @!p1 $0x0  }
0x14: {  	s2 =	sld [smem:$0x3F94];
	s0 =	simm.s32 @p1 $0x1  }
0x15: {  	[smem:$0x3FB1] =	sst s0;
	s0 =	simm.s32 @!p2 $0x0  }
0x16: {  	s3 =	sld [smem:$0x3FDB];
	s0 =	simm.s32 @p2 $0x1  }
0x17: {  	s4 =	simm.s32 $0x1BF5;
	[smem:$0x3FB3] =	sst s0  }
0x18: {  	s0 =	sld [smem:$0x3F96];
	_ =	swait.ge [sflag:s4], $0x0  }
0x19: {  	s7 =	sld [smem:$0x3F97]  }
0x1a: {  	s8 =	sadd.s32 $0xFFFFE003, lr  }
0x1b: {  	s9 =	sadd.s32 $0xFFFFFEF7, lr;
	s5 =	simm.s32 $0xFFFFFFFF;
	p2 =	slt.u32 s8, $0xFFFFF086  }
0x1c: {  	p1 =	slt.u32 s9, $0xF7A;
	s5 =	simm.s32 @!p2 $0x0  }
0x1d: {  	s5 =	simm.s32 @p1 $0x1;
	p0 =	seq.s32 s7, s2  }
0x1e: {  	s7 =	smul.u32 @!p0 $0xF7A, s2;
	p2 =	seq.s32 @!p0 s5, $0x0  }
0x1f: {  	s9 =	smul.u32 $0xF7A, s1;
	s8 =	simm.s32 @!p0 $0x1BF5;
	p2 =	por !p2, p0  }
0x20: {  	[sflag:s8] =	ssyncset.s32 @!p0 $0xFFFFF086;
	s6 =	sadd.s32 @!p0 s3, s7;
	s7 =	simm.s32 @!p0 $0x108  }
0x21: {  	s3 =	sadd.s32 s3, s9;
	s6 =	sadd.s32 @!p0 $0x88, s6;
	s7 =	simm.s32 @p2 $0x1082  }
0x22: {  	[simem:s7], [sflag:s8] =	dma.local @!p0 [hbm:s6], $0xF7A  }
0x23: {  	s9 =	sor.u32 $0xD0000000, s2;
	s6 =	simm.s32 $0x108;
	_ =	swait.ge @!p0 [sflag:s8], $0x0  }
0x24: {  	s3 =	sadd.s32 $0x88, s3;
	s6 =	simm.s32 @!p1 $0x1082;
	[sflag:s4] =	ssyncset.s32 $0xFFFFF086  }
0x25: {  	[simem:s6], [sflag:s4] =	dma.local [hbm:s3], $0xF7A  }
0x26: {  	[smem:$0x3F97] =	sst s1;
	(tag) =	ssettag s2;
	_ =	strace s9  }
0x27: {  	s1 =	sld [smem:$0x3FA7]  }
0x28: {  	s2 =	sld [smem:$0x3FA8]  }
0x29: {  	s4 =	sld [smem:$0x3FAA]  }
0x2a: {  	p0 =	seq.s32 s5, $0x0;
	s5 =	sld [smem:$0x3FAB]  }
0x2b: {  	s6 =	sld [smem:$0x3FAC]  }
0x2c: {  	s7 =	sld [smem:$0x3FAD]  }
0x2d: {  	s3 =	simm.s32 $0x108;
	s8 =	sld [smem:$0x3FAE]  }
0x2e: {  	s3 =	simm.s32 @!p0 $0x1082;
	s9 =	sld [smem:$0x3FAF]  }
0x2f: {  	lr =	sadd.s32 s0, s3;
	s0 =	sld [smem:$0x3FA6]  }
0x30: {  	s3 =	sld [smem:$0x3FA9]  }
0x31: {  	[smem:$0x3FB2] =	sst s10  }
0x32: {  	s10 =	sld [smem:$0x3FB0];
	_ =	sdelay $0x3  }
0x33: {  	p0 =	seq.s32 s10, $0x1;
	s10 =	sld [smem:$0x3FB2];
	_ =	sdelay $0x3  }
0x34: {  	[smem:$0x3FB2] =	sst s10  }
0x35: {  	s10 =	sld [smem:$0x3FB1];
	_ =	sdelay $0x3  }
0x36: {  	p1 =	seq.s32 s10, $0x1;
	s10 =	sld [smem:$0x3FB2];
	_ =	sdelay $0x3  }
0x37: {  	[smem:$0x3FB2] =	sst s10  }
0x38: {  	s10 =	sld [smem:$0x3FB3]  }
0x39: {  	_ = 	snop;
	(pc) =	sbr.ind lr, $3  }
0x3a: {  	_ = 	snop  }
0x3b: {  	_ = 	snop  }
0x3c: {  	p2 =	seq.s32 s10, $0x1;
	s10 =	sld [smem:$0x3FB2]  }
0x3d: {  	_ =	shalt  }
0x3e: {  	_ =	shalt  }
0x3f: {  	_ =	shalt  }
0x40: {  	_ =	shalt  }
0x41: {  	_ =	shalt  }
0x42: {  	_ =	shalt  }
0x43: {  	_ =	shalt  }
0x44: {  	_ =	shalt  }
0x45: {  	_ =	shalt  }
0x46: {  	_ =	shalt  }
0x47: {  	_ =	shalt  }
0x48: {  	_ =	shalt  }
0x49: {  	_ =	shalt  }
0x4a: {  	_ =	shalt  }
0x4b: {  	_ =	shalt  }
0x4c: {  	_ =	shalt  }
0x4d: {  	_ =	shalt  }
0x4e: {  	_ =	shalt  }
0x4f: {  	_ =	shalt  }
0x50: {  	_ =	shalt  }
0x51: {  	_ =	shalt  }
0x52: {  	_ =	shalt  }
0x53: {  	_ =	shalt  }
0x54: {  	_ =	shalt  }
0x55: {  	_ =	shalt  }
0x56: {  	_ =	shalt  }
0x57: {  	_ =	shalt  }
0x58: {  	_ =	shalt  }
0x59: {  	_ =	shalt  }
0x5a: {  	_ =	shalt  }
0x5b: {  	_ =	shalt  }
0x5c: {  	_ =	shalt  }
0x5d: {  	_ =	shalt  }
0x5e: {  	_ =	shalt  }
0x5f: {  	_ =	shalt  }
0x60: {  	_ =	shalt  }
0x61: {  	_ =	shalt  }
0x62: {  	_ =	shalt  }
0x63: {  	_ =	shalt  }
0x64: {  	_ =	shalt  }
0x65: {  	_ =	shalt  }
0x66: {  	_ =	shalt  }
0x67: {  	_ =	shalt  }
0x68: {  	_ =	shalt  }
0x69: {  	_ =	shalt  }
0x6a: {  	_ =	shalt  }
0x6b: {  	_ =	shalt  }
0x6c: {  	_ =	shalt  }
0x6d: {  	_ =	shalt  }
0x6e: {  	_ =	shalt  }
0x6f: {  	_ =	shalt  }
0x70: {  	_ =	shalt  }
0x71: {  	_ =	shalt  }
0x72: {  	_ =	shalt  }
0x73: {  	_ =	shalt  }
0x74: {  	_ =	shalt  }
0x75: {  	_ =	shalt  }
0x76: {  	_ =	shalt  }
0x77: {  	_ =	shalt  }
0x78: {  	_ =	shalt  }
0x79: {  	_ =	shalt  }
0x7a: {  	_ =	shalt  }
0x7b: {  	_ =	shalt  }
0x7c: {  	_ =	shalt  }
0x7d: {  	_ =	shalt  }
0x7e: {  	_ =	shalt  }
0x7f: {  	_ =	shalt  }
0x80: {  	_ =	shalt  }
0x81: {  	_ =	shalt  }
0x82: {  	_ =	shalt  }
0x83: {  	_ =	shalt  }
0x84: {  	_ =	shalt  }
0x85: {  	_ =	shalt  }
0x86: {  	_ =	shalt  }
0x87: {  	_ =	shalt  }
.Lfunc_end0:
.L_simem_size_0:
called_computation.2_lowered:
.L_overlay_start_0:
0x88: {  	s2 =	sld [smem:$0x3FD9]  }
0x89: {  	s3 =	sld [smem:$0x3FFE];
	_ =	sdelay $0x1  }
0x8a: {  	s1 =	srdreg.scid  }
0x8b: {  	s0 =	sand.u32 $0x1, s1  }
0x8c: {  	s14 =	sshll.u32 s0, $0xA;
	s2 =	sadd.s32 s3, s2  }
0x8d: {  	s2 =	sadd.s32 s2, s14  }
0x8e: {  	[smem:$0x3FBE] =	sst s2  }
0x8f: {  	_ = 	snop  }
0x90: {  	s2 =	sld [smem:$0x3FD0];
	_ =	sdelay $0x2  }
0x91: {  	s4 =	simm.s32 $0xB;
	s5 =	simm.s32 $0x10;
	s15 =	sld [smem:$0x3FC9]  }
0x92: {  	[smem:s5], [sflag:s4] =	dma.local [hbm:s2], $0x1  }
0x93: {  	_ =	swait.eq [sflag:s4], $0x1  }
0x94: {  	[sflag:s4] =	ssyncset.done $0x0  }
0x95: {  	[sflag:s4] =	ssyncadd.s32 $0xFFFFFFFF  }
0x96: {  	s16 =	sld [smem:$0x13];
	(tm) =	ssettm $0x1  }
0x97: {  	s17 =	sld [smem:$0x3FFB];
	_ =	sdelay $0x3  }
0x98: {  	_ =	strace s17  }
0x99: {  	s4 =	sld [smem:$0x3FFC];
	_ =	sdelay $0x3  }
0x9a: {  	_ =	strace s4  }
0x9b: {  	s4 =	sld [smem:$0x3FFD];
	_ =	sdelay $0x3  }
0x9c: {  	_ =	strace s4  }
0x9d: {  	_ =	strace $0x8FFFFFFF  }
0x9e: {  	s18 =	sld [smem:$0x3FDB];
	_ =	sdelay $0x1  }
0x9f: {  	s19 =	simm.s32 $_scs_section_size  }
0xa0: {  	s6 =	simm.s32 $_size__tile_overlayer_lowered;
	s7 =	simm.s32 $_tile_overlayer_lowered  }
0xa1: {  	s22 =	simm.s32 $0x1BFF;
	s21 =	sshll.u32 s7, $0x1;
	s4 =	sadd.s32 s19, s18  }
0xa2: {  	s8 =	simm.s32 $0x0;
	s20 =	sshll.u32 s6, $0x1;
	s6 =	sadd.s32 s21, s4  }
0xa3: {  	[timem:s8], [sflag:s22] =	dma.local [hbm:s6], s20  }
0xa4: {  	_ =	swait.ge [sflag:s22], s20  }
0xa5: {  	s5 =	ssub.s32 $0x0, s20;
	[sflag:s22] =	ssyncset.done $0x0  }
0xa6: {  	[sflag:s22] =	ssyncadd.s32 s5;
	_ =	sdelay $0x1  }
0xa7: {  	s23 =	simm.s32 $0x1B8B  }
0xa8: {  	_ =	swait.ge [sflag:s23], $0x1  }
0xa9: {  	[sflag:s23] =	ssyncset.done $0x0  }
0xaa: {  	s25 =	simm.s32 $0x1B8E;
	s24 =	sld [smem:$0x3FFE];
	[sflag:s23] =	ssyncadd.s32 $0xFFFFFFFF  }
0xab: {  	s26 =	simm.s32 $execute0_lowered;
	[smem:$0x3FD2] =	sst s25  }
0xac: {  	s6 =	sshll.u32 s26, $0x1;
	_ =	strace $0x8000004C;
	[dreg:$0x1] =	wrdreg $0xFFFFFFFF  }
0xad: {  	s28 =	simm.s32 $_size_execute0_lowered;
	s4 =	sadd.s32 s4, s6;
	[dreg:$0x0] =	wrdreg $0x0  }
0xae: {  	s6 =	sshll.u32 s28, $0x1;
	[dreg:$0x2] =	wrdreg s4  }
0xaf: {  	[dreg:$0x3] =	wrdreg s6  }
0xb0: {  	[dreg:$0x4] =	wrdreg $0xC0  }
0xb1: {  	_ =	task [dreg:s8], $0x5FFFF  }
0xb2: {  	[dreg:$0x1] =	wrdreg $0xFFFFFFFF  }
0xb3: {  	[dreg:$0x0] =	wrdreg $0x60  }
0xb4: {  	[dreg:$0x2] =	wrdreg s16  }
0xb5: {  	[dreg:$0x3] =	wrdreg s15  }
0xb6: {  	[dreg:$0x4] =	wrdreg s24  }
0xb7: {  	[dreg:$0x5] =	wrdreg $0x9  }
0xb8: {  	_ =	task.clear_ibuf [dreg:s8], $0x6FFFF;
	_ =	strace $0x9000004C  }
0xb9: {  	s29 =	simm.s32 $0x9;
	_ =	strace $0x8000004E  }
0xba: {  	_ =	swait.ge [sflag:s29], $0x1  }
0xbb: {  	[sflag:s29] =	ssyncadd.s32 $0xFFFFFFFF  }
0xbc: {  	_ =	strace $0x9000004E  }
0xbd: {  	_ =	sfence  }
0xbe: {  	s30 =	sld [smem:$0x0];
	_ =	sdelay $0x2  }
0xbf: {  	s31 =	sshll.u32 s1, $0xD;
	s1 =	sshrl.u32 s1, $0x2  }
0xc0: {  	s3 =	sand.u32 $0x4000, s31;
	s1 =	sadd.s32 s1, s30  }
0xc1: {  	s0 =	sor.u32 s3, s0;
	s1 =	sshll.u32 s1, $0x11  }
0xc2: {  	s0 =	sor.u32 s1, s0  }
0xc3: {  	s0 =	sadd.s32 $0x8F2B, s0  }
0xc4: {  	[sflag:s0] =	ssyncadd.remote.s32 $0x1  }
0xc5: {  	_ =	sfence.sel $0xFFFF  }
0xc6: {  	[dreg:$0x0] =	wrdreg $0xFFFFFFFF;
	(pc) =	sbr.abs _section_cstart, $3  }
0xc7: {  	[dreg:$0x1] =	wrdreg $0xFFFFFFFF  }
0xc8: {  	_ =	task.clear_ibuf [dreg:s8], $0x2FFFF;
	_ =	strace $0x9FFFFFFF  }
0xc9: {  	(tm) =	ssettm $0x7FFFFFFF  }
tec
execute0_lowered:
.L_overlay_start_1:
0x0: {  	(tag) =	ssettag $0x1  }
0x1: {  	s7 =	rddreg [dreg:$0x0];
	s1 =	srdreg.scid  }
0x2: {  	s3 =	rddreg [dreg:$0x1];
	s0 =	stileid.u32  }
0x3: {  	s6 =	rddreg [dreg:$0x2];
	s2 =	simm.s32 $0x0;
	s5 =	sand.u32 $0x1, s1  }
0x4: {  	s4 =	sshll.u32 s0, $0x6;
	s1 =	rddreg [dreg:$0x3];
	s8 =	sshll.u32 s5, $0x5  }
0x5: {  	[smem:$0x7FF] =	sst s2;
	s8 =	sor.u32 s8, s4  }
0x6: {  	_ =	strace $0x8000004D;
	s9 =	ssub.s32 $0x2, s5;
	s4 =	sshrl.u32 s8, $0x3  }
0x7: {  	s8 =	sshll.u32 s8, $0x4;
	s3 =	sadd.s32 s3, s4;
	s4 =	simm.s32 $0x2  }
0x8: {  	[tilespmem:s2], [sflag:$0x2] =	stream.linear.gather [hbm4b:s3+s2], $0x20, $0x38;
	[tilespmem:$0x1080] =	vst v63  }
0x9: {  	s31 =	sshrl.u32 s9, $0x1;
	s30 =	sadd.s32 s8, s6;
	_ =	swait.ge [sflag:s4], $0x20  }
0xa: {  	s6 =	simm.s32 $0x80;
	s8 =	ssub.s32 s9, s31;
	[sflag:s4] =	ssyncset.done $0x0  }
0xb: {  	s5 =	sadd.s32 $0x2E00, s30;
	s10 =	smax.u32 s8, $0x1;
	[sflag:s4] =	ssyncadd.s32 $0xFFFFFFE0  }
0xc: {  	[tilespmem:s6], [sflag:$0x2] =	stream.linear.gather [hbm4b:s5+s2], $0x1000, $0x38;
	[tilespmem:$0x1080] =	vst v63  }
0xd: {  	p0 =	sne.s32 s10, $0x1;
	_ =	swait.ge [sflag:s4], $0x1000  }
.Ltmp0:
0xe: {  	s7 =	sadd.s32 $0x493E00, s7;
	[sflag:s4] =	ssyncset.done $0x0;
	(pc) =	sbr.rel @!p0 .LBB2_2-.Ltmp0, $4  }
0xf: {  	s9 =	simm.s32 $0x20;
	s8 =	simm.s32 $0x1;
	[sflag:s4] =	ssyncadd.s32 $0xFFFFF000  }
0x10: {  	[hbm4b:s7+s9] =	stream.indirect.scatter [tilespmem:s6], [sflag:$0x1], $0x80, s2, s9, $0xb8;
	[tilespmem:$0x1080] =	vst v63  }
0x11: {  	_ =	swait.ge [sflag:s8], $0x1000  }
0x12: {  	s10 =	sadd.s32 $0xFFFFFFFF, s10;
	[sflag:s8] =	ssyncset.done $0x0  }
.LBB2_1:
0x13: {  	p0 =	sne.s32 s10, $0x1;
	s10 =	sadd.s32 $0xFFFFFFFF, s10;
	[sflag:s8] =	ssyncadd.s32 $0xFFFFF000  }
0x14: {  	[tilespmem:s2], [sflag:$0x2] =	stream.linear.gather [hbm4b:s3+s2], $0x20, $0x38;
	[tilespmem:$0x1080] =	vst v63  }
0x15: {  	_ =	swait.ge [sflag:s4], $0x20  }
0x16: {  	[sflag:s4] =	ssyncset.done $0x0  }
0x17: {  	[sflag:s4] =	ssyncadd.s32 $0xFFFFFFE0  }
0x18: {  	[tilespmem:s6], [sflag:$0x2] =	stream.linear.gather [hbm4b:s5+s2], $0x1000, $0x38;
	[tilespmem:$0x1080] =	vst v63  }
0x19: {  	_ =	swait.ge [sflag:s4], $0x1000  }
.Ltmp1:
0x1a: {  	[sflag:s4] =	ssyncset.done $0x0;
	(pc) =	sbr.rel @p0 .LBB2_1-.Ltmp1, $4  }
0x1b: {  	[sflag:s4] =	ssyncadd.s32 $0xFFFFF000  }
0x1c: {  	[hbm4b:s7+s9] =	stream.indirect.scatter [tilespmem:s6], [sflag:$0x1], $0x80, s2, s9, $0xb8;
	[tilespmem:$0x1080] =	vst v63  }
0x1d: {  	_ =	swait.ge [sflag:s8], $0x1000  }
0x1e: {  	[sflag:s8] =	ssyncset.done $0x0  }
.LBB2_2:
0x1f: {  	[sflag:s8] =	ssyncadd.s32 $0xFFFFF000  }
0x20: {  	_ =	sfence.sel $0x180000  }
0x21: {  	[bflag:$0x0] =	sbarrier.arrive $0xFFFF  }
0x22: {  	p0 =	sne.s32 s0, $0x0;
	_ =	strace $0x9000004D  }
0x23: {  	s0 =	sadd.s32 @!p0 $0x100000, s1;
	[bflag:$0x2] =	sbarrier.arrive $0xFFFF  }
0x24: {  	[sflag:s0] =	ssyncadd.tile.s32 @!p0 $0x1;
	_ =	shalt  }
.Lfunc_end2:
_tile_overlayer_lowered:
.L_overlay_start_2:
0x25: {  	(tag) =	ssettag $0x2  }
0x26: {  	s0 =	rddreg [dreg:$0x0];
	s2 =	stileid.u32  }
0x27: {  	s1 =	rddreg [dreg:$0x1];
	p0 =	sne.s32 s2, $0x0  }
0x28: {  	s3 =	rddreg [dreg:$0x2];
	[bflag:$0x3] =	sbarrier.arrive $0xFFFF;
	s2 =	simm.s32 @!p0 $0x1C02  }
0x29: {  	[timem:s3], [sflag:s2] =	dma.local @!p0 [hbm:s0], s1  }
0x2a: {  	s0 =	simm.s32 @!p0 $0x2  }
0x2b: {  	_ =	swait.ge @!p0 [sflag:s0], s1  }
0x2c: {  	s1 =	ssub.s32 @!p0 $0x0, s1;
	[sflag:s0] =	ssyncset.done @!p0 $0x0  }
0x2d: {  	[sflag:s0] =	ssyncadd.s32 @!p0 s1  }
0x2e: {  	[bflag:$0x3] =	sbarrier.arrive $0xFFFF  }
0x2f: {  	_ =	shalt  }

// kernel: kernel.7.cloned.1.call-start
scs
__scs_entry_jumppad:
0x0: {  	(pc) =	sbr.rel $0x88, $3  }
0x1: {  	(tag) =	ssettag $0x0;
	lr =	simm.s32 $0x1  }
0x2: {  	[smem:$0x3F97] =	sst lr;
	_ =	strace $0xD0000000  }
0x3: {  	_ = 	snop  }
0x4: {  	_ = 	snop  }
0x5: {  	_ = 	snop  }
0x6: {  	_ = 	snop  }
0x7: {  	_ = 	snop  }
__scs_overlays_trampoline_lowered:
0x8: {  	[smem:$0x3FA6] =	sst s0  }
0x9: {  	[smem:$0x3FA7] =	sst s1  }
0xa: {  	[smem:$0x3FA8] =	sst s2  }
0xb: {  	[smem:$0x3FA9] =	sst s3  }
0xc: {  	[smem:$0x3FAA] =	sst s4  }
0xd: {  	[smem:$0x3FAB] =	sst s5  }
0xe: {  	[smem:$0x3FAC] =	sst s6  }
0xf: {  	[smem:$0x3FAD] =	sst s7  }
0x10: {  	[smem:$0x3FAE] =	sst s8  }
0x11: {  	[smem:$0x3FAF] =	sst s9;
	s0 =	simm.s32 @!p0 $0x0  }
0x12: {  	s1 =	sld [smem:$0x3F95];
	s0 =	simm.s32 @p0 $0x1  }
0x13: {  	[smem:$0x3FB0] =	sst s0;
	s0 =	simm.s32 @!p1 $0x0  }
0x14: {  	s2 =	sld [smem:$0x3F94];
	s0 =	simm.s32 @p1 $0x1  }
0x15: {  	[smem:$0x3FB1] =	sst s0;
	s0 =	simm.s32 @!p2 $0x0  }
0x16: {  	s3 =	sld [smem:$0x3FDB];
	s0 =	simm.s32 @p2 $0x1  }
0x17: {  	s4 =	simm.s32 $0x1BF5;
	[smem:$0x3FB3] =	sst s0  }
0x18: {  	s0 =	sld [smem:$0x3F96];
	_ =	swait.ge [sflag:s4], $0x0  }
0x19: {  	s7 =	sld [smem:$0x3F97]  }
0x1a: {  	s8 =	sadd.s32 $0xFFFFE003, lr  }
0x1b: {  	s9 =	sadd.s32 $0xFFFFFEF7, lr;
	s5 =	simm.s32 $0xFFFFFFFF;
	p2 =	slt.u32 s8, $0xFFFFF086  }
0x1c: {  	p1 =	slt.u32 s9, $0xF7A;
	s5 =	simm.s32 @!p2 $0x0  }
0x1d: {  	s5 =	simm.s32 @p1 $0x1;
	p0 =	seq.s32 s7, s2  }
0x1e: {  	s7 =	smul.u32 @!p0 $0xF7A, s2;
	p2 =	seq.s32 @!p0 s5, $0x0  }
0x1f: {  	s9 =	smul.u32 $0xF7A, s1;
	s8 =	simm.s32 @!p0 $0x1BF5;
	p2 =	por !p2, p0  }
0x20: {  	[sflag:s8] =	ssyncset.s32 @!p0 $0xFFFFF086;
	s6 =	sadd.s32 @!p0 s3, s7;
	s7 =	simm.s32 @!p0 $0x108  }
0x21: {  	s3 =	sadd.s32 s3, s9;
	s6 =	sadd.s32 @!p0 $0x88, s6;
	s7 =	simm.s32 @p2 $0x1082  }
0x22: {  	[simem:s7], [sflag:s8] =	dma.local @!p0 [hbm:s6], $0xF7A  }
0x23: {  	s9 =	sor.u32 $0xD0000000, s2;
	s6 =	simm.s32 $0x108;
	_ =	swait.ge @!p0 [sflag:s8], $0x0  }
0x24: {  	s3 =	sadd.s32 $0x88, s3;
	s6 =	simm.s32 @!p1 $0x1082;
	[sflag:s4] =	ssyncset.s32 $0xFFFFF086  }
0x25: {  	[simem:s6], [sflag:s4] =	dma.local [hbm:s3], $0xF7A  }
0x26: {  	[smem:$0x3F97] =	sst s1;
	(tag) =	ssettag s2;
	_ =	strace s9  }
0x27: {  	s1 =	sld [smem:$0x3FA7]  }
0x28: {  	s2 =	sld [smem:$0x3FA8]  }
0x29: {  	s4 =	sld [smem:$0x3FAA]  }
0x2a: {  	p0 =	seq.s32 s5, $0x0;
	s5 =	sld [smem:$0x3FAB]  }
0x2b: {  	s6 =	sld [smem:$0x3FAC]  }
0x2c: {  	s7 =	sld [smem:$0x3FAD]  }
0x2d: {  	s3 =	simm.s32 $0x108;
	s8 =	sld [smem:$0x3FAE]  }
0x2e: {  	s3 =	simm.s32 @!p0 $0x1082;
	s9 =	sld [smem:$0x3FAF]  }
0x2f: {  	lr =	sadd.s32 s0, s3;
	s0 =	sld [smem:$0x3FA6]  }
0x30: {  	s3 =	sld [smem:$0x3FA9]  }
0x31: {  	[smem:$0x3FB2] =	sst s10  }
0x32: {  	s10 =	sld [smem:$0x3FB0];
	_ =	sdelay $0x3  }
0x33: {  	p0 =	seq.s32 s10, $0x1;
	s10 =	sld [smem:$0x3FB2];
	_ =	sdelay $0x3  }
0x34: {  	[smem:$0x3FB2] =	sst s10  }
0x35: {  	s10 =	sld [smem:$0x3FB1];
	_ =	sdelay $0x3  }
0x36: {  	p1 =	seq.s32 s10, $0x1;
	s10 =	sld [smem:$0x3FB2];
	_ =	sdelay $0x3  }
0x37: {  	[smem:$0x3FB2] =	sst s10  }
0x38: {  	s10 =	sld [smem:$0x3FB3]  }
0x39: {  	_ = 	snop;
	(pc) =	sbr.ind lr, $3  }
0x3a: {  	_ = 	snop  }
0x3b: {  	_ = 	snop  }
0x3c: {  	p2 =	seq.s32 s10, $0x1;
	s10 =	sld [smem:$0x3FB2]  }
0x3d: {  	_ =	shalt  }
0x3e: {  	_ =	shalt  }
0x3f: {  	_ =	shalt  }
0x40: {  	_ =	shalt  }
0x41: {  	_ =	shalt  }
0x42: {  	_ =	shalt  }
0x43: {  	_ =	shalt  }
0x44: {  	_ =	shalt  }
0x45: {  	_ =	shalt  }
0x46: {  	_ =	shalt  }
0x47: {  	_ =	shalt  }
0x48: {  	_ =	shalt  }
0x49: {  	_ =	shalt  }
0x4a: {  	_ =	shalt  }
0x4b: {  	_ =	shalt  }
0x4c: {  	_ =	shalt  }
0x4d: {  	_ =	shalt  }
0x4e: {  	_ =	shalt  }
0x4f: {  	_ =	shalt  }
0x50: {  	_ =	shalt  }
0x51: {  	_ =	shalt  }
0x52: {  	_ =	shalt  }
0x53: {  	_ =	shalt  }
0x54: {  	_ =	shalt  }
0x55: {  	_ =	shalt  }
0x56: {  	_ =	shalt  }
0x57: {  	_ =	shalt  }
0x58: {  	_ =	shalt  }
0x59: {  	_ =	shalt  }
0x5a: {  	_ =	shalt  }
0x5b: {  	_ =	shalt  }
0x5c: {  	_ =	shalt  }
0x5d: {  	_ =	shalt  }
0x5e: {  	_ =	shalt  }
0x5f: {  	_ =	shalt  }
0x60: {  	_ =	shalt  }
0x61: {  	_ =	shalt  }
0x62: {  	_ =	shalt  }
0x63: {  	_ =	shalt  }
0x64: {  	_ =	shalt  }
0x65: {  	_ =	shalt  }
0x66: {  	_ =	shalt  }
0x67: {  	_ =	shalt  }
0x68: {  	_ =	shalt  }
0x69: {  	_ =	shalt  }
0x6a: {  	_ =	shalt  }
0x6b: {  	_ =	shalt  }
0x6c: {  	_ =	shalt  }
0x6d: {  	_ =	shalt  }
0x6e: {  	_ =	shalt  }
0x6f: {  	_ =	shalt  }
0x70: {  	_ =	shalt  }
0x71: {  	_ =	shalt  }
0x72: {  	_ =	shalt  }
0x73: {  	_ =	shalt  }
0x74: {  	_ =	shalt  }
0x75: {  	_ =	shalt  }
0x76: {  	_ =	shalt  }
0x77: {  	_ =	shalt  }
0x78: {  	_ =	shalt  }
0x79: {  	_ =	shalt  }
0x7a: {  	_ =	shalt  }
0x7b: {  	_ =	shalt  }
0x7c: {  	_ =	shalt  }
0x7d: {  	_ =	shalt  }
0x7e: {  	_ =	shalt  }
0x7f: {  	_ =	shalt  }
0x80: {  	_ =	shalt  }
0x81: {  	_ =	shalt  }
0x82: {  	_ =	shalt  }
0x83: {  	_ =	shalt  }
0x84: {  	_ =	shalt  }
0x85: {  	_ =	shalt  }
0x86: {  	_ =	shalt  }
0x87: {  	_ =	shalt  }
.Lfunc_end0:
.L_simem_size_0:
called_computation_lowered:
.L_overlay_start_0:
0x88: {  	s2 =	sld [smem:$0x3FD9]  }
0x89: {  	s3 =	sld [smem:$0x3FFE];
	_ =	sdelay $0x1  }
0x8a: {  	s1 =	srdreg.scid  }
0x8b: {  	s0 =	sand.u32 $0x1, s1  }
0x8c: {  	s16 =	sshll.u32 s0, $0xA;
	s2 =	sadd.s32 s3, s2  }
0x8d: {  	s2 =	sadd.s32 s2, s16  }
0x8e: {  	[smem:$0x3FBE] =	sst s2  }
0x8f: {  	_ = 	snop  }
0x90: {  	s17 =	sld [smem:$0x3FD0];
	_ =	sdelay $0x2  }
0x91: {  	s4 =	simm.s32 $0xB;
	s5 =	simm.s32 $0x10;
	s2 =	sld [smem:$0x3FC5]  }
0x92: {  	[smem:s5], [sflag:s4] =	dma.local [hbm:s17], $0x1  }
0x93: {  	_ =	swait.eq [sflag:s4], $0x1  }
0x94: {  	[sflag:s4] =	ssyncset.done $0x0  }
0x95: {  	[sflag:s4] =	ssyncadd.s32 $0xFFFFFFFF  }
0x96: {  	s18 =	sld [smem:$0x13];
	(tm) =	ssettm $0x1  }
0x97: {  	s19 =	sld [smem:$0x3FFB];
	_ =	sdelay $0x3  }
0x98: {  	_ =	strace s19  }
0x99: {  	s3 =	sld [smem:$0x3FFC];
	_ =	sdelay $0x3  }
0x9a: {  	_ =	strace s3  }
0x9b: {  	s3 =	sld [smem:$0x3FFD];
	_ =	sdelay $0x3  }
0x9c: {  	_ =	strace s3  }
0x9d: {  	_ =	strace $0x8FFFFFFF  }
0x9e: {  	s20 =	sld [smem:$0x3FDB];
	_ =	sdelay $0x1  }
0x9f: {  	s21 =	simm.s32 $_scs_section_size  }
0xa0: {  	s6 =	simm.s32 $_size__tile_overlayer_lowered;
	s7 =	simm.s32 $_tile_overlayer_lowered  }
0xa1: {  	s8 =	simm.s32 $0x1BFF;
	s22 =	sshll.u32 s7, $0x1;
	s5 =	sadd.s32 s21, s20  }
0xa2: {  	s23 =	simm.s32 $0x0;
	s6 =	sshll.u32 s6, $0x1;
	s7 =	sadd.s32 s22, s5  }
0xa3: {  	[timem:s23], [sflag:s8] =	dma.local [hbm:s7], s6  }
0xa4: {  	_ =	swait.ge [sflag:s8], s6  }
0xa5: {  	s6 =	ssub.s32 $0x0, s6;
	[sflag:s8] =	ssyncset.done $0x0  }
0xa6: {  	[sflag:s8] =	ssyncadd.s32 s6;
	_ =	sdelay $0x1  }
0xa7: {  	s24 =	simm.s32 $0x1B8B  }
0xa8: {  	_ =	swait.ge [sflag:s24], $0x1  }
0xa9: {  	[sflag:s24] =	ssyncset.done $0x0  }
0xaa: {  	[sflag:s24] =	ssyncadd.s32 $0xFFFFFFFF  }
0xab: {  	s6 =	sld [smem:$0x0]  }
0xac: {  	s7 =	sand.u32 $0xFFFFFFFE, s1  }
0xad: {  	p0 =	sne.s32 s1, s7  }
0xae: {  	s7 =	sshll.u32 @p0 s7, $0xE  }
0xaf: {  	s7 =	sadd.s32 @p0 $0x11B8D, s7;
	s8 =	sshll.u32 @p0 s6, $0x11  }
0xb0: {  	s7 =	sor.u32 @p0 s8, s7  }
0xb1: {  	[sflag:s7] =	ssyncadd.remote.s32 @p0 $0x1;
	_ =	sdelay $0x1  }
0xb2: {  	s7 =	simm.s32 @p0 $0x1B8D  }
0xb3: {  	_ =	swait.eq @p0 [sflag:s7], $0x1  }
0xb4: {  	[sflag:s7] =	ssyncadd.s32 @p0 $0xFFFFFFFF  }
0xb5: {  	s8 =	sshll.u32 @!p0 s1, $0xE  }
0xb6: {  	s8 =	sor.u32 @!p0 $0x4000, s8;
	s7 =	simm.s32 @!p0 $0x1B8D  }
0xb7: {  	s6 =	sshll.u32 @!p0 s6, $0x11;
	s8 =	sadd.s32 @!p0 $0x11B8D, s8;
	_ =	swait.eq @!p0 [sflag:s7], $0x1  }
0xb8: {  	s6 =	sor.u32 @!p0 s6, s8;
	[sflag:s7] =	ssyncadd.s32 @!p0 $0xFFFFFFFF  }
0xb9: {  	s25 =	simm.s32 $0x1B8E;
	[sflag:s6] =	ssyncadd.remote.s32 @!p0 $0x1  }
0xba: {  	s26 =	simm.s32 $execute0_lowered;
	[smem:$0x3FD2] =	sst s25  }
0xbb: {  	s6 =	sshll.u32 s26, $0x1;
	_ =	strace $0x80000049;
	[dreg:$0x1] =	wrdreg $0xFFFFFFFF  }
0xbc: {  	s28 =	simm.s32 $_size_execute0_lowered;
	s5 =	sadd.s32 s5, s6;
	[dreg:$0x0] =	wrdreg $0x0  }
0xbd: {  	s6 =	sshll.u32 s28, $0x1;
	[dreg:$0x2] =	wrdreg s5  }
0xbe: {  	[dreg:$0x3] =	wrdreg s6  }
0xbf: {  	[dreg:$0x4] =	wrdreg $0xC0  }
0xc0: {  	_ =	task [dreg:s23], $0x5FFFF  }
0xc1: {  	[dreg:$0x1] =	wrdreg $0xFFFFFFFF  }
0xc2: {  	[dreg:$0x0] =	wrdreg $0x60  }
0xc3: {  	[dreg:$0x2] =	wrdreg s2  }
0xc4: {  	[dreg:$0x3] =	wrdreg s18  }
0xc5: {  	[dreg:$0x4] =	wrdreg $0x9  }
0xc6: {  	_ =	task.clear_ibuf [dreg:s23], $0x5FFFF;
	_ =	strace $0x90000049  }
0xc7: {  	s29 =	simm.s32 $0x9;
	_ =	strace $0x8000004B  }
0xc8: {  	_ =	swait.ge [sflag:s29], $0x1  }
0xc9: {  	[sflag:s29] =	ssyncadd.s32 $0xFFFFFFFF  }
0xca: {  	_ =	strace $0x9000004B  }
0xcb: {  	_ =	sfence  }
0xcc: {  	s30 =	sld [smem:$0x0];
	_ =	sdelay $0x2  }
0xcd: {  	s31 =	sshll.u32 s1, $0xD;
	s1 =	sshrl.u32 s1, $0x2  }
0xce: {  	s4 =	sand.u32 $0x4000, s31;
	s1 =	sadd.s32 s1, s30  }
0xcf: {  	s0 =	sor.u32 s4, s0;
	s1 =	sshll.u32 s1, $0x11  }
0xd0: {  	s0 =	sor.u32 s1, s0  }
0xd1: {  	s0 =	sadd.s32 $0x8F2B, s0  }
0xd2: {  	[sflag:s0] =	ssyncadd.remote.s32 $0x1  }
0xd3: {  	_ =	sfence.sel $0xFFFF  }
0xd4: {  	[dreg:$0x0] =	wrdreg $0xFFFFFFFF;
	(pc) =	sbr.abs _section_cstart, $3  }
0xd5: {  	[dreg:$0x1] =	wrdreg $0xFFFFFFFF  }
0xd6: {  	_ =	task.clear_ibuf [dreg:s23], $0x2FFFF;
	_ =	strace $0x9FFFFFFF  }
0xd7: {  	(tm) =	ssettm $0x7FFFFFFF  }
tec
execute0_lowered:
.L_overlay_start_1:
0x0: {  	(tag) =	ssettag $0x1  }
0x1: {  	s1 =	rddreg [dreg:$0x0];
	s0 =	srdreg.scid  }
0x2: {  	s2 =	rddreg [dreg:$0x1];
	s4 =	simm.s32 $0x0;
	s3 =	stileid.u32  }
0x3: {  	s11 =	simm.s32 $0xC800;
	s12 =	simm.s32 $0x1;
	s13 =	simm.s32 $0x0  }
0x4: {  	s9 =	sand.u32 $0x1, s0;
	s0 =	rddreg [dreg:$0x2];
	s8 =	smul.u32 $0x19000, s3  }
.Ltmp0:
0x5: {  	[smem:$0x7FF] =	sst s4;
	s5 =	ssub.s32 $0x2, s9;
	(pc) =	sbr.rel .LBB2_1-.Ltmp0, $4  }
0x6: {  	p0 =	slt.u32 s3, $0x4;
	s10 =	smul.u32 $0xC800, s9;
	s6 =	sshrl.u32 s5, $0x1  }
0x7: {  	_ =	strace $0x8000004A;
	s7 =	ssub.s32 s5, s6;
	s5 =	simm.s32 $0x20  }
0x8: {  	s6 =	sshll.u32 s3, $0x1;
	s8 =	sadd.s32 s10, s8;
	s10 =	simm.s32 $0x2  }
0x9: {  	s5 =	simm.s32 @!p0 $0x1F;
	s7 =	smax.u32 s7, $0x1;
	s9 =	sor.u32 s9, s6  }
.LBB2_5:
0xa: {  	s13 =	sadd.s32 $0x1, s13  }
0xb: {  	_ =	swait.ge [sflag:s10], $0xC800;
	p0 =	sne.s32 s13, s7  }
.Ltmp1:
0xc: {  	[sflag:s10] =	ssyncset.done $0x0;
	(pc) =	sbr.rel @!p0 .LBB2_6-.Ltmp1, $4  }
0xd: {  	[sflag:s10] =	ssyncadd.s32 $0xFFFF3800  }
0xe: {  	_ =	swait.ge [sflag:s10], $0xC800  }
0xf: {  	[sflag:s10] =	ssyncset.done $0x0  }
0x10: {  	[sflag:s10] =	ssyncadd.s32 $0xFFFF3800  }
.LBB2_1:
.Ltmp2:
0x11: {  	(pc) =	sbr.rel .LBB2_2-.Ltmp2, $3  }
0x12: {  	_ =	sdelay $0x1  }
0x13: {  	s14 =	smov.u32 s9  }
0x14: {  	s15 =	smov.u32 s8;
	s16 =	smov.u32 s6;
	s17 =	simm.s32 $0x0  }
.LBB2_4:
0x15: {  	s17 =	sadd.s32 $0x1, s17  }
0x16: {  	p0 =	sne.s32 s5, s17  }
.Ltmp3:
0x17: {  	_ = 	snop;
	(pc) =	sbr.rel @!p0 .LBB2_5-.Ltmp3, $2  }
0x18: {  	_ =	sdelay $0x2  }
0x19: {  	s16 =	sadd.s32 $0x20, s16;
	s15 =	sadd.s32 $0x190000, s15;
	s14 =	sadd.s32 $0x20, s14  }
.LBB2_2:
0x1a: {  	s18 =	smulhi.u32 $0x10624DD3, s16  }
0x1b: {  	s19 =	smulhi.u32 $0x10624DD3, s14;
	s20 =	sand.u32 $0x1, s17  }
0x1c: {  	p0 =	seq.s32 s20, $0x1;
	s18 =	sshrl.u32 s18, $0x4  }
0x1d: {  	s19 =	sshrl.u32 s19, $0x4;
	p1 =	slt.u32 @!p0 s17, $0x2;
	s18 =	smul.u32 $0xC35000, s18  }
0x1e: {  	s19 =	smul.u32 $0xC35000, s19;
	p1 =	por p1, p0  }
0x1f: {  	s21 =	simm.s32 @!p1 $0x2;
	s18 =	sadd.s32 s18, s15  }
0x20: {  	_ =	swait.ge @!p1 [sflag:s21], $0xC800;
	s18 =	ssub.s32 s18, s19  }
0x21: {  	[sflag:s21] =	ssyncset.done @!p1 $0x0;
	s19 =	sshrl.u32 @!p0 s18, $0x3  }
0x22: {  	s22 =	simm.s32 @!p0 $0x0;
	[sflag:s21] =	ssyncadd.s32 @!p1 $0xFFFF3800;
	s21 =	sadd.s32 @!p0 s1, s19  }
0x23: {  	[tilespmem:s22], [sflag:$0x1] =	stream.linear.gather @!p0 [hbm4b:s21+s22], $0xC800, $0x38;
	[tilespmem:$0x19000] =	vst v63  }
0x24: {  	s21 =	simm.s32 @!p0 $0x1  }
0x25: {  	_ =	swait.ge @!p0 [sflag:s21], $0xC800  }
0x26: {  	[sflag:s21] =	ssyncset.done @!p0 $0x0  }
0x27: {  	p1 =	seq.s32 @!p0 s20, $0x0;
	s19 =	sadd.s32 @!p0 s2, s19;
	[sflag:s21] =	ssyncadd.s32 @!p0 $0xFFFF3800  }
0x28: {  	[hbm4b:s19+s22] =	stream.linear.scatter @!p0 [tilespmem:s22], [sflag:$0x2], $0xC800, $0x38;
	[tilespmem:$0x19000] =	vst v63  }
0x29: {  	p0 =	por p0, !p1  }
.Ltmp4:
0x2a: {  	_ = 	snop;
	(pc) =	sbr.rel @!p0 .LBB2_4-.Ltmp4, $1  }
0x2b: {  	_ =	sdelay $0x3  }
0x2c: {  	p0 =	slt.u32 s17, $0x2  }
0x2d: {  	s19 =	simm.s32 @!p0 $0x2  }
0x2e: {  	_ =	swait.ge @!p0 [sflag:s19], $0xC800  }
0x2f: {  	s18 =	sshrl.u32 s18, $0x3;
	[sflag:s19] =	ssyncset.done @!p0 $0x0  }
0x30: {  	s31 =	sadd.s32 s1, s18;
	[sflag:s19] =	ssyncadd.s32 @!p0 $0xFFFF3800  }
0x31: {  	[tilespmem:s11], [sflag:$0x1] =	stream.linear.gather [hbm4b:s31+s4], $0xC800, $0x38;
	[tilespmem:$0x19000] =	vst v63  }
.Ltmp5:
0x32: {  	_ = 	snop;
	(pc) =	sbr.rel .LBB2_4-.Ltmp5, $4  }
0x33: {  	_ =	swait.ge [sflag:s12], $0xC800  }
0x34: {  	[sflag:s12] =	ssyncset.done $0x0  }
0x35: {  	s18 =	sadd.s32 s2, s18;
	[sflag:s12] =	ssyncadd.s32 $0xFFFF3800  }
0x36: {  	[hbm4b:s18+s4] =	stream.linear.scatter [tilespmem:s11], [sflag:$0x2], $0xC800, $0x38;
	[tilespmem:$0x19000] =	vst v63  }
.LBB2_6:
0x37: {  	_ =	sfence.sel $0x180000  }
0x38: {  	[bflag:$0x0] =	sbarrier.arrive $0xFFFF  }
0x39: {  	p0 =	sne.s32 s3, $0x0;
	_ =	strace $0x9000004A  }
0x3a: {  	s0 =	sadd.s32 @!p0 $0x100000, s0;
	[bflag:$0x2] =	sbarrier.arrive $0xFFFF  }
0x3b: {  	[sflag:s0] =	ssyncadd.tile.s32 @!p0 $0x1;
	_ =	shalt  }
.Lfunc_end2:
_tile_overlayer_lowered:
.L_overlay_start_2:
0x3c: {  	(tag) =	ssettag $0x2  }
0x3d: {  	s0 =	rddreg [dreg:$0x0];
	s2 =	stileid.u32  }
0x3e: {  	s1 =	rddreg [dreg:$0x1];
	p0 =	sne.s32 s2, $0x0  }
0x3f: {  	s3 =	rddreg [dreg:$0x2];
	[bflag:$0x3] =	sbarrier.arrive $0xFFFF;
	s2 =	simm.s32 @!p0 $0x1C03  }
0x40: {  	[timem:s3], [sflag:s2] =	dma.local @!p0 [hbm:s0], s1  }
0x41: {  	s0 =	simm.s32 @!p0 $0x3  }
0x42: {  	_ =	swait.ge @!p0 [sflag:s0], s1  }
0x43: {  	s1 =	ssub.s32 @!p0 $0x0, s1;
	[sflag:s0] =	ssyncset.done @!p0 $0x0  }
0x44: {  	[sflag:s0] =	ssyncadd.s32 @!p0 s1  }
0x45: {  	[bflag:$0x3] =	sbarrier.arrive $0xFFFF  }
0x46: {  	_ =	shalt  }

</sc_bundles>
